<compile_context>
chip_gen: v7x
topology: tpu7x:2x2x1
jax: 0.10.2.dev20260603
libtpu: 0.0.44.dev20260713+nightly
codegen_flags: <defaults>
</compile_context>

<pallas_src>
import functools

import jax
import jax.numpy as jnp
from jax import lax
from jax.experimental import pallas as pl
from jax.experimental.pallas import tpu as pltpu
from jax.experimental.pallas import tpu_sc as plsc

NUM_ROWS = 16384 * 200
DIM = 64
TAB = 5
N_WORKERS = 32
PER_W = NUM_ROWS // N_WORKERS
CHUNK = 640
SUPER = 640
G = SUPER // CHUNK
IDX_STAGE = 6400
N_OUTER = PER_W // IDX_STAGE
NS = IDX_STAGE // SUPER

_mesh = plsc.VectorSubcoreMesh(core_axis_name="c", subcore_axis_name="s")


@functools.partial(
    pl.kernel,
    out_type=jax.ShapeDtypeStruct((NUM_ROWS, DIM), jnp.float32),
    mesh=_mesh,
    scratch_types=[
        pltpu.VMEM((2, IDX_STAGE), jnp.int32),
        pltpu.VMEM((2, SUPER, DIM), jnp.float32),
        pltpu.SemaphoreType.DMA,
        pltpu.SemaphoreType.DMA,
        pltpu.SemaphoreType.DMA,
    ],
    compiler_params=pltpu.CompilerParams(use_tc_tiling_on_sc=False),
)
def _embed_sc(city_hbm, table_hbm, out_hbm, idx2, rows2, isem, gsem, wsem):
    wid = lax.axis_index("s") * 2 + lax.axis_index("c")
    base = wid * PER_W
    tbase = wid * TAB

    def fire_stage(o, slot):
        pltpu.async_copy(
            city_hbm.at[pl.ds(base + o * IDX_STAGE, IDX_STAGE)],
            idx2.at[slot], isem,
        )

    def wait_stage(slot):
        pltpu.make_async_copy(
            city_hbm.at[pl.ds(0, IDX_STAGE)], idx2.at[slot], isem
        ).wait()

    def fire_gathers(slot, s, buf):
        for g in range(G):
            pltpu.async_copy(
                table_hbm.at[pl.ds(tbase, TAB)].at[
                    idx2.at[slot, pl.ds(s * SUPER + g * CHUNK, CHUNK)]
                ],
                rows2.at[buf, pl.ds(g * CHUNK, CHUNK)], gsem,
            )

    def drain_gathers(buf):
        for g in range(G):
            pltpu.make_async_copy(
                out_hbm.at[pl.ds(0, CHUNK)],
                rows2.at[buf, pl.ds(g * CHUNK, CHUNK)], gsem,
            ).wait()

    def fire_write(o, s, buf):
        pltpu.async_copy(
            rows2.at[buf],
            out_hbm.at[pl.ds(base + (o * NS + s) * SUPER, SUPER)], wsem,
        )

    def drain_write(buf):
        pltpu.make_async_copy(
            out_hbm.at[pl.ds(0, SUPER)], rows2.at[buf], wsem
        ).wait()

    def super_body(o, slot, s, buf, prime_next=True):
        drain_gathers(buf)
        fire_write(o, s, buf)
        @pl.when(o * NS + s > 0)
        def _():
            drain_write(1 - buf)
        if prime_next:
            fire_gathers(slot, s + 1, 1 - buf)

    def outer_body(o, slot):
        @pl.when(o + 1 < N_OUTER)
        def _():
            fire_stage(o + 1, 1 - slot)
        wait_stage(slot)
        fire_gathers(slot, 0, 0)
        @pl.loop(0, NS - 2, step=2)
        def _inner(s):
            super_body(o, slot, s, 0)
            super_body(o, slot, s + 1, 1)
        super_body(o, slot, NS - 2, 0)
        super_body(o, slot, NS - 1, 1, prime_next=False)

    fire_stage(0, 0)

    @pl.loop(0, N_OUTER, step=2)
    def _outer(o):
        outer_body(o, 0)
        outer_body(o + 1, 1)

    drain_write(1)


def kernel(city, table):
    flat = jnp.reshape(city, (NUM_ROWS,)).astype(jnp.int32)
    table_rep = jnp.tile(table, (N_WORKERS, 1))
    out = _embed_sc(flat, table_rep)
    return jnp.reshape(out, (*city.shape, DIM))

# --- scband reference (transcript-rebuilt; emitter-appended) ---
"""Pipeline reference for scband-city-embedding-26637387170298 (READ-ONLY COPY).

The authoritative reference and input builder live on the scoring server;
editing this copy changes nothing except your own understanding.
"""

import jax, jax.numpy as jnp
import numpy as np

NUM_EMBEDDINGS = 5
EMBED_SIZE = 64

def setup_inputs(seed: int = 0) -> dict:
    key = jax.random.key(seed)
    k1, k2 = jax.random.split(key)
    city = jax.random.randint(k1, (16384, 200), 0, NUM_EMBEDDINGS, dtype=jnp.int64 if jax.config.jax_enable_x64 else jnp.int32)
    # nn.Embedding default init: N(0, 1)
    table = jax.random.normal(k2, (NUM_EMBEDDINGS, EMBED_SIZE), dtype=jnp.float32)
    return {"city": city, "table": table}

def reference(city, table):
    # CityEmbedding.forward: embed = self.city_embedding(city)
    embed = jnp.take(table, city, axis=0)
    return embed

if __name__ == "__main__":
    import jax
    _d = setup_inputs()
    print(jax.jit(kernel)(*tuple(_d.values())))

</pallas_src>

<mosaic_0001>
#map = affine_map<(d0, d1) -> (0)>
#map1 = affine_map<(d0, d1) -> (0, 0)>
module attributes {stable_mosaic.version = 14 : i64} {
  func.func @_embed_sc(%arg0: i32, %arg1: i32, %arg2: memref<3276800xi32, #tpu.memory_space<hbm>>, %arg3: memref<160x64xf32, #tpu.memory_space<hbm>>, %arg4: memref<3276800x64xf32, #tpu.memory_space<hbm>>, %arg5: memref<2x6400xi32, #tpu.memory_space<vmem>>, %arg6: memref<2x640x64xf32, #tpu.memory_space<vmem>>, %arg7: memref<!tpu.dma_semaphore, #tpu.memory_space<semaphore_mem>>, %arg8: memref<!tpu.dma_semaphore, #tpu.memory_space<semaphore_mem>>, %arg9: memref<!tpu.dma_semaphore, #tpu.memory_space<semaphore_mem>>) attributes {dimension_semantics = [#tpu.dimension_semantics<core_parallel>, #tpu.dimension_semantics<subcore_parallel>], iteration_bounds = array<i64: 2, 16>, scalar_prefetch = 0 : i64, scratch_operands = 5 : i64, tpu.core_type = #tpu.core_type<sc_vector_subcore>, window_params = [{transform_indices = #map}, {transform_indices = #map1}, {transform_indices = #map1}]} {
    %mul3A = arith.constant 2 : i32
    %mul3A_0 = arith.muli %arg1, %mul3A : i32
    %add3A = arith.addi %mul3A_0, %arg0 : i32
    %mul3A_1 = arith.constant 102400 : i32
    %mul3A_2 = arith.muli %add3A, %mul3A_1 : i32
    %mul3A_3 = arith.constant 5 : i32
    %mul3A_4 = arith.muli %add3A, %mul3A_3 : i32
    %add3A_5 = arith.constant 0 : i32
    %add3A_6 = arith.addi %mul3A_2, %add3A_5 : i32
    %dma_start3A = arith.constant 0 : i32
    %dma_start3A_7 = arith.constant 0 : i32
    %dma_start3A_8 = tpu.memref_slice %arg5[%dma_start3A, %dma_start3A_7] : memref<2x6400xi32, #tpu.memory_space<vmem>> -> memref<1x6400xi32, #tpu.memory_space<vmem>>
    %dma_start3A_9 = tpu.memref_squeeze %dma_start3A_8 : memref<1x6400xi32, #tpu.memory_space<vmem>> -> memref<6400xi32, #tpu.memory_space<vmem>>
    %dma_start3A_10 = tpu.memref_slice %arg2[%add3A_6] : memref<3276800xi32, #tpu.memory_space<hbm>> -> memref<6400xi32, #tpu.memory_space<hbm>>
    %dma_start3A_11 = arith.constant 0 : i32
    %dma_start3A_12 = tpu.memref_slice %arg5[%dma_start3A, %dma_start3A_11] : memref<2x6400xi32, #tpu.memory_space<vmem>> -> memref<1x6400xi32, #tpu.memory_space<vmem>>
    %dma_start3A_13 = tpu.memref_squeeze %dma_start3A_12 : memref<1x6400xi32, #tpu.memory_space<vmem>> -> memref<6400xi32, #tpu.memory_space<vmem>>
    %dma_start3A_14 = tpu.memref_slice %arg2[%add3A_6] : memref<3276800xi32, #tpu.memory_space<hbm>> -> memref<6400xi32, #tpu.memory_space<hbm>>
    tpu.enqueue_dma source(%dma_start3A_14 : memref<6400xi32, #tpu.memory_space<hbm>>) target(%dma_start3A_13 : memref<6400xi32, #tpu.memory_space<vmem>>) target_semaphore(%arg7 : memref<!tpu.dma_semaphore, #tpu.memory_space<semaphore_mem>>)
    %scan3A = arith.constant 0 : i32
    %scan3A_15 = arith.constant 8 : i32
    %scan3A_16 = arith.addi %scan3A, %scan3A_15 : i32
    %scan3A_17 = arith.constant 1 : i32
    scf.for %scan3A_33 = %scan3A to %scan3A_16 step %scan3A_17  : i32 {
      %mul3A_34 = arith.constant 2 : i32
      %mul3A_35 = arith.muli %scan3A_33, %mul3A_34 : i32
      %add3A_36 = arith.constant 0 : i32
      %add3A_37 = arith.addi %add3A_36, %mul3A_35 : i32
      %add3A_38 = arith.constant 1 : i32
      %add3A_39 = arith.addi %add3A_37, %add3A_38 : i32
      %lt3A = arith.constant 16 : i32
      %lt3A_40 = arith.cmpi slt, %add3A_39, %lt3A : i32
      %convert_element_type3A = arith.extui %lt3A_40 : i1 to i32
      %cond3A = arith.constant 0 : i32
      %cond3A_41 = arith.cmpi ne, %convert_element_type3A, %cond3A : i32
      scf.if %cond3A_41 {
        %add3A_314 = arith.constant 1 : i32
        %add3A_315 = arith.addi %add3A_37, %add3A_314 : i32
        %mul3A_316 = arith.constant 6400 : i32
        %mul3A_317 = arith.muli %add3A_315, %mul3A_316 : i32
        %add3A_318 = arith.addi %mul3A_2, %mul3A_317 : i32
        %dma_start3A_319 = arith.constant 1 : i32
        %dma_start3A_320 = arith.constant 0 : i32
        %dma_start3A_321 = tpu.memref_slice %arg5[%dma_start3A_319, %dma_start3A_320] : memref<2x6400xi32, #tpu.memory_space<vmem>> -> memref<1x6400xi32, #tpu.memory_space<vmem>>
        %dma_start3A_322 = tpu.memref_squeeze %dma_start3A_321 : memref<1x6400xi32, #tpu.memory_space<vmem>> -> memref<6400xi32, #tpu.memory_space<vmem>>
        %dma_start3A_323 = tpu.memref_slice %arg2[%add3A_318] : memref<3276800xi32, #tpu.memory_space<hbm>> -> memref<6400xi32, #tpu.memory_space<hbm>>
        %dma_start3A_324 = arith.constant 0 : i32
        %dma_start3A_325 = tpu.memref_slice %arg5[%dma_start3A_319, %dma_start3A_324] : memref<2x6400xi32, #tpu.memory_space<vmem>> -> memref<1x6400xi32, #tpu.memory_space<vmem>>
        %dma_start3A_326 = tpu.memref_squeeze %dma_start3A_325 : memref<1x6400xi32, #tpu.memory_space<vmem>> -> memref<6400xi32, #tpu.memory_space<vmem>>
        %dma_start3A_327 = tpu.memref_slice %arg2[%add3A_318] : memref<3276800xi32, #tpu.memory_space<hbm>> -> memref<6400xi32, #tpu.memory_space<hbm>>
        tpu.enqueue_dma source(%dma_start3A_327 : memref<6400xi32, #tpu.memory_space<hbm>>) target(%dma_start3A_326 : memref<6400xi32, #tpu.memory_space<vmem>>) target_semaphore(%arg7 : memref<!tpu.dma_semaphore, #tpu.memory_space<semaphore_mem>>)
      } else {
      }
      %dma_wait3A_42 = arith.constant 0 : i32
      %dma_wait3A_43 = arith.constant 0 : i32
      %dma_wait3A_44 = tpu.memref_slice %arg5[%dma_wait3A_42, %dma_wait3A_43] : memref<2x6400xi32, #tpu.memory_space<vmem>> -> memref<1x6400xi32, #tpu.memory_space<vmem>>
      %dma_wait3A_45 = tpu.memref_squeeze %dma_wait3A_44 : memref<1x6400xi32, #tpu.memory_space<vmem>> -> memref<6400xi32, #tpu.memory_space<vmem>>
      %dma_wait3A_46 = arith.constant 0 : i32
      %dma_wait3A_47 = tpu.memref_slice %arg2[%dma_wait3A_46] : memref<3276800xi32, #tpu.memory_space<hbm>> -> memref<6400xi32, #tpu.memory_space<hbm>>
      %dma_wait3A_48 = arith.constant 0 : i32
      %dma_wait3A_49 = tpu.memref_slice %arg5[%dma_wait3A_42, %dma_wait3A_48] : memref<2x6400xi32, #tpu.memory_space<vmem>> -> memref<1x6400xi32, #tpu.memory_space<vmem>>
      %dma_wait3A_50 = tpu.memref_squeeze %dma_wait3A_49 : memref<1x6400xi32, #tpu.memory_space<vmem>> -> memref<6400xi32, #tpu.memory_space<vmem>>
      %dma_wait3A_51 = arith.constant 0 : i32
      %dma_wait3A_52 = tpu.memref_slice %arg2[%dma_wait3A_51] : memref<3276800xi32, #tpu.memory_space<hbm>> -> memref<6400xi32, #tpu.memory_space<hbm>>
      tpu.wait_dma2 semaphore(%arg7 : memref<!tpu.dma_semaphore, #tpu.memory_space<semaphore_mem>>) src(%dma_wait3A_52 : memref<6400xi32, #tpu.memory_space<hbm>>) dst(%dma_wait3A_50 : memref<6400xi32, #tpu.memory_space<vmem>>)
      %dma_start3A_53 = arith.constant 0 : i32
      %dma_start3A_54 = arith.constant 0 : i32
      %dma_start3A_55 = arith.constant 0 : i32
      %dma_start3A_56 = arith.constant 0 : i32
      %dma_start3A_57 = tpu.memref_slice %arg6[%dma_start3A_54, %dma_start3A_55, %dma_start3A_56] : memref<2x640x64xf32, #tpu.memory_space<vmem>> -> memref<1x640x64xf32, #tpu.memory_space<vmem>>
      %dma_start3A_58 = tpu.memref_squeeze %dma_start3A_57 : memref<1x640x64xf32, #tpu.memory_space<vmem>> -> memref<640x64xf32, #tpu.memory_space<vmem>>
      %dma_start3A_59 = arith.constant 0 : i32
      %dma_start3A_60 = tpu.memref_slice %arg5[%dma_start3A_53, %dma_start3A_59] : memref<2x6400xi32, #tpu.memory_space<vmem>> -> memref<1x640xi32, #tpu.memory_space<vmem>>
      %dma_start3A_61 = tpu.memref_squeeze %dma_start3A_60 : memref<1x640xi32, #tpu.memory_space<vmem>> -> memref<640xi32, #tpu.memory_space<vmem>>
      %dma_start3A_62 = arith.constant 0 : i32
      %dma_start3A_63 = tpu.memref_slice %arg3[%mul3A_4, %dma_start3A_62] : memref<160x64xf32, #tpu.memory_space<hbm>> -> memref<5x64xf32, #tpu.memory_space<hbm>>
      %dma_start3A_64 = arith.constant 0 : i32
      %dma_start3A_65 = arith.constant 0 : i32
      %dma_start3A_66 = tpu.memref_slice %dma_start3A_63[%dma_start3A_64, %dma_start3A_65] : memref<5x64xf32, #tpu.memory_space<hbm>> -> memref<5x64xf32, #tpu.memory_space<hbm>>
      tpu.enqueue_indirect_dma source(%dma_start3A_66 : memref<5x64xf32, #tpu.memory_space<hbm>>) target(%dma_start3A_58 : memref<640x64xf32, #tpu.memory_space<vmem>>) offsets(%dma_start3A_61 : memref<640xi32, #tpu.memory_space<vmem>>) semaphore(%arg8 : memref<!tpu.dma_semaphore, #tpu.memory_space<semaphore_mem>>)
      %scan3A_67 = arith.constant 0 : i32
      %scan3A_68 = arith.constant 4 : i32
      %scan3A_69 = arith.addi %scan3A_67, %scan3A_68 : i32
      %scan3A_70 = arith.constant 1 : i32
      scf.for %scan3A_314 = %scan3A_67 to %scan3A_69 step %scan3A_70  : i32 {
        %mul3A_315 = arith.constant 2 : i32
        %mul3A_316 = arith.muli %scan3A_314, %mul3A_315 : i32
        %add3A_317 = arith.constant 0 : i32
        %add3A_318 = arith.addi %add3A_317, %mul3A_316 : i32
        %dma_wait3A_319 = arith.constant 0 : i32
        %dma_wait3A_320 = arith.constant 0 : i32
        %dma_wait3A_321 = arith.constant 0 : i32
        %dma_wait3A_322 = tpu.memref_slice %arg6[%dma_wait3A_319, %dma_wait3A_320, %dma_wait3A_321] : memref<2x640x64xf32, #tpu.memory_space<vmem>> -> memref<1x640x64xf32, #tpu.memory_space<vmem>>
        %dma_wait3A_323 = tpu.memref_squeeze %dma_wait3A_322 : memref<1x640x64xf32, #tpu.memory_space<vmem>> -> memref<640x64xf32, #tpu.memory_space<vmem>>
        %dma_wait3A_324 = arith.constant 0 : i32
        %dma_wait3A_325 = arith.constant 0 : i32
        %dma_wait3A_326 = tpu.memref_slice %arg4[%dma_wait3A_324, %dma_wait3A_325] : memref<3276800x64xf32, #tpu.memory_space<hbm>> -> memref<640x64xf32, #tpu.memory_space<hbm>>
        %dma_wait3A_327 = arith.constant 0 : i32
        %dma_wait3A_328 = arith.constant 0 : i32
        %dma_wait3A_329 = tpu.memref_slice %arg6[%dma_wait3A_319, %dma_wait3A_327, %dma_wait3A_328] : memref<2x640x64xf32, #tpu.memory_space<vmem>> -> memref<1x640x64xf32, #tpu.memory_space<vmem>>
        %dma_wait3A_330 = tpu.memref_squeeze %dma_wait3A_329 : memref<1x640x64xf32, #tpu.memory_space<vmem>> -> memref<640x64xf32, #tpu.memory_space<vmem>>
        %dma_wait3A_331 = arith.constant 0 : i32
        %dma_wait3A_332 = arith.constant 0 : i32
        %dma_wait3A_333 = tpu.memref_slice %arg4[%dma_wait3A_331, %dma_wait3A_332] : memref<3276800x64xf32, #tpu.memory_space<hbm>> -> memref<640x64xf32, #tpu.memory_space<hbm>>
        tpu.wait_dma2 semaphore(%arg8 : memref<!tpu.dma_semaphore, #tpu.memory_space<semaphore_mem>>) src(%dma_wait3A_333 : memref<640x64xf32, #tpu.memory_space<hbm>>) dst(%dma_wait3A_330 : memref<640x64xf32, #tpu.memory_space<vmem>>)
        %mul3A_334 = arith.constant 10 : i32
        %mul3A_335 = arith.muli %add3A_37, %mul3A_334 : i32
        %add3A_336 = arith.addi %mul3A_335, %add3A_318 : i32
        %mul3A_337 = arith.constant 640 : i32
        %mul3A_338 = arith.muli %add3A_336, %mul3A_337 : i32
        %add3A_339 = arith.addi %mul3A_2, %mul3A_338 : i32
        %dma_start3A_340 = arith.constant 0 : i32
        %dma_start3A_341 = arith.constant 0 : i32
        %dma_start3A_342 = arith.constant 0 : i32
        %dma_start3A_343 = tpu.memref_slice %arg6[%dma_start3A_340, %dma_start3A_341, %dma_start3A_342] : memref<2x640x64xf32, #tpu.memory_space<vmem>> -> memref<1x640x64xf32, #tpu.memory_space<vmem>>
        %dma_start3A_344 = tpu.memref_squeeze %dma_start3A_343 : memref<1x640x64xf32, #tpu.memory_space<vmem>> -> memref<640x64xf32, #tpu.memory_space<vmem>>
        %dma_start3A_345 = arith.constant 0 : i32
        %dma_start3A_346 = tpu.memref_slice %arg4[%add3A_339, %dma_start3A_345] : memref<3276800x64xf32, #tpu.memory_space<hbm>> -> memref<640x64xf32, #tpu.memory_space<hbm>>
        %dma_start3A_347 = arith.constant 0 : i32
        %dma_start3A_348 = tpu.memref_slice %arg4[%add3A_339, %dma_start3A_347] : memref<3276800x64xf32, #tpu.memory_space<hbm>> -> memref<640x64xf32, #tpu.memory_space<hbm>>
        %dma_start3A_349 = arith.constant 0 : i32
        %dma_start3A_350 = arith.constant 0 : i32
        %dma_start3A_351 = tpu.memref_slice %arg6[%dma_start3A_340, %dma_start3A_349, %dma_start3A_350] : memref<2x640x64xf32, #tpu.memory_space<vmem>> -> memref<1x640x64xf32, #tpu.memory_space<vmem>>
        %dma_start3A_352 = tpu.memref_squeeze %dma_start3A_351 : memref<1x640x64xf32, #tpu.memory_space<vmem>> -> memref<640x64xf32, #tpu.memory_space<vmem>>
        tpu.enqueue_dma source(%dma_start3A_352 : memref<640x64xf32, #tpu.memory_space<vmem>>) target(%dma_start3A_348 : memref<640x64xf32, #tpu.memory_space<hbm>>) target_semaphore(%arg9 : memref<!tpu.dma_semaphore, #tpu.memory_space<semaphore_mem>>)
        %mul3A_353 = arith.constant 10 : i32
        %mul3A_354 = arith.muli %add3A_37, %mul3A_353 : i32
        %add3A_355 = arith.addi %mul3A_354, %add3A_318 : i32
        %gt3A_356 = arith.constant 0 : i32
        %gt3A_357 = arith.cmpi sgt, %add3A_355, %gt3A_356 : i32
        %convert_element_type3A_358 = arith.extui %gt3A_357 : i1 to i32
        %cond3A_359 = arith.constant 0 : i32
        %cond3A_360 = arith.cmpi ne, %convert_element_type3A_358, %cond3A_359 : i32
        scf.if %cond3A_360 {
          %dma_wait3A_443 = arith.constant 1 : i32
          %dma_wait3A_444 = arith.constant 0 : i32
          %dma_wait3A_445 = arith.constant 0 : i32
          %dma_wait3A_446 = tpu.memref_slice %arg6[%dma_wait3A_443, %dma_wait3A_444, %dma_wait3A_445] : memref<2x640x64xf32, #tpu.memory_space<vmem>> -> memref<1x640x64xf32, #tpu.memory_space<vmem>>
          %dma_wait3A_447 = tpu.memref_squeeze %dma_wait3A_446 : memref<1x640x64xf32, #tpu.memory_space<vmem>> -> memref<640x64xf32, #tpu.memory_space<vmem>>
          %dma_wait3A_448 = arith.constant 0 : i32
          %dma_wait3A_449 = arith.constant 0 : i32
          %dma_wait3A_450 = tpu.memref_slice %arg4[%dma_wait3A_448, %dma_wait3A_449] : memref<3276800x64xf32, #tpu.memory_space<hbm>> -> memref<640x64xf32, #tpu.memory_space<hbm>>
          %dma_wait3A_451 = arith.constant 0 : i32
          %dma_wait3A_452 = arith.constant 0 : i32
          %dma_wait3A_453 = tpu.memref_slice %arg6[%dma_wait3A_443, %dma_wait3A_451, %dma_wait3A_452] : memref<2x640x64xf32, #tpu.memory_space<vmem>> -> memref<1x640x64xf32, #tpu.memory_space<vmem>>
          %dma_wait3A_454 = tpu.memref_squeeze %dma_wait3A_453 : memref<1x640x64xf32, #tpu.memory_space<vmem>> -> memref<640x64xf32, #tpu.memory_space<vmem>>
          %dma_wait3A_455 = arith.constant 0 : i32
          %dma_wait3A_456 = arith.constant 0 : i32
          %dma_wait3A_457 = tpu.memref_slice %arg4[%dma_wait3A_455, %dma_wait3A_456] : memref<3276800x64xf32, #tpu.memory_space<hbm>> -> memref<640x64xf32, #tpu.memory_space<hbm>>
          tpu.wait_dma2 semaphore(%arg9 : memref<!tpu.dma_semaphore, #tpu.memory_space<semaphore_mem>>) src(%dma_wait3A_457 : memref<640x64xf32, #tpu.memory_space<hbm>>) dst(%dma_wait3A_454 : memref<640x64xf32, #tpu.memory_space<vmem>>)
        } else {
        }
        %add3A_361 = arith.constant 1 : i32
        %add3A_362 = arith.addi %add3A_318, %add3A_361 : i32
        %mul3A_363 = arith.constant 640 : i32
        %mul3A_364 = arith.muli %add3A_362, %mul3A_363 : i32
        %add3A_365 = arith.constant 0 : i32
        %add3A_366 = arith.addi %mul3A_364, %add3A_365 : i32
        %dma_start3A_367 = arith.constant 0 : i32
        %dma_start3A_368 = arith.constant 1 : i32
        %dma_start3A_369 = arith.constant 0 : i32
        %dma_start3A_370 = arith.constant 0 : i32
        %dma_start3A_371 = tpu.memref_slice %arg6[%dma_start3A_368, %dma_start3A_369, %dma_start3A_370] : memref<2x640x64xf32, #tpu.memory_space<vmem>> -> memref<1x640x64xf32, #tpu.memory_space<vmem>>
        %dma_start3A_372 = tpu.memref_squeeze %dma_start3A_371 : memref<1x640x64xf32, #tpu.memory_space<vmem>> -> memref<640x64xf32, #tpu.memory_space<vmem>>
        %dma_start3A_373 = tpu.memref_slice %arg5[%dma_start3A_367, %add3A_366] : memref<2x6400xi32, #tpu.memory_space<vmem>> -> memref<1x640xi32, #tpu.memory_space<vmem>>
        %dma_start3A_374 = tpu.memref_squeeze %dma_start3A_373 : memref<1x640xi32, #tpu.memory_space<vmem>> -> memref<640xi32, #tpu.memory_space<vmem>>
        %dma_start3A_375 = arith.constant 0 : i32
        %dma_start3A_376 = tpu.memref_slice %arg3[%mul3A_4, %dma_start3A_375] : memref<160x64xf32, #tpu.memory_space<hbm>> -> memref<5x64xf32, #tpu.memory_space<hbm>>
        %dma_start3A_377 = arith.constant 0 : i32
        %dma_start3A_378 = arith.constant 0 : i32
        %dma_start3A_379 = tpu.memref_slice %dma_start3A_376[%dma_start3A_377, %dma_start3A_378] : memref<5x64xf32, #tpu.memory_space<hbm>> -> memref<5x64xf32, #tpu.memory_space<hbm>>
        tpu.enqueue_indirect_dma source(%dma_start3A_379 : memref<5x64xf32, #tpu.memory_space<hbm>>) target(%dma_start3A_372 : memref<640x64xf32, #tpu.memory_space<vmem>>) offsets(%dma_start3A_374 : memref<640xi32, #tpu.memory_space<vmem>>) semaphore(%arg8 : memref<!tpu.dma_semaphore, #tpu.memory_space<semaphore_mem>>)
        %add3A_380 = arith.constant 1 : i32
        %add3A_381 = arith.addi %add3A_318, %add3A_380 : i32
        %dma_wait3A_382 = arith.constant 1 : i32
        %dma_wait3A_383 = arith.constant 0 : i32
        %dma_wait3A_384 = arith.constant 0 : i32
        %dma_wait3A_385 = tpu.memref_slice %arg6[%dma_wait3A_382, %dma_wait3A_383, %dma_wait3A_384] : memref<2x640x64xf32, #tpu.memory_space<vmem>> -> memref<1x640x64xf32, #tpu.memory_space<vmem>>
        %dma_wait3A_386 = tpu.memref_squeeze %dma_wait3A_385 : memref<1x640x64xf32, #tpu.memory_space<vmem>> -> memref<640x64xf32, #tpu.memory_space<vmem>>
        %dma_wait3A_387 = arith.constant 0 : i32
        %dma_wait3A_388 = arith.constant 0 : i32
        %dma_wait3A_389 = tpu.memref_slice %arg4[%dma_wait3A_387, %dma_wait3A_388] : memref<3276800x64xf32, #tpu.memory_space<hbm>> -> memref<640x64xf32, #tpu.memory_space<hbm>>
        %dma_wait3A_390 = arith.constant 0 : i32
        %dma_wait3A_391 = arith.constant 0 : i32
        %dma_wait3A_392 = tpu.memref_slice %arg6[%dma_wait3A_382, %dma_wait3A_390, %dma_wait3A_391] : memref<2x640x64xf32, #tpu.memory_space<vmem>> -> memref<1x640x64xf32, #tpu.memory_space<vmem>>
        %dma_wait3A_393 = tpu.memref_squeeze %dma_wait3A_392 : memref<1x640x64xf32, #tpu.memory_space<vmem>> -> memref<640x64xf32, #tpu.memory_space<vmem>>
        %dma_wait3A_394 = arith.constant 0 : i32
        %dma_wait3A_395 = arith.constant 0 : i32
        %dma_wait3A_396 = tpu.memref_slice %arg4[%dma_wait3A_394, %dma_wait3A_395] : memref<3276800x64xf32, #tpu.memory_space<hbm>> -> memref<640x64xf32, #tpu.memory_space<hbm>>
        tpu.wait_dma2 semaphore(%arg8 : memref<!tpu.dma_semaphore, #tpu.memory_space<semaphore_mem>>) src(%dma_wait3A_396 : memref<640x64xf32, #tpu.memory_space<hbm>>) dst(%dma_wait3A_393 : memref<640x64xf32, #tpu.memory_space<vmem>>)
        %mul3A_397 = arith.constant 10 : i32
        %mul3A_398 = arith.muli %add3A_37, %mul3A_397 : i32
        %add3A_399 = arith.addi %mul3A_398, %add3A_381 : i32
        %mul3A_400 = arith.constant 640 : i32
        %mul3A_401 = arith.muli %add3A_399, %mul3A_400 : i32
        %add3A_402 = arith.addi %mul3A_2, %mul3A_401 : i32
        %dma_start3A_403 = arith.constant 1 : i32
        %dma_start3A_404 = arith.constant 0 : i32
        %dma_start3A_405 = arith.constant 0 : i32
        %dma_start3A_406 = tpu.memref_slice %arg6[%dma_start3A_403, %dma_start3A_404, %dma_start3A_405] : memref<2x640x64xf32, #tpu.memory_space<vmem>> -> memref<1x640x64xf32, #tpu.memory_space<vmem>>
        %dma_start3A_407 = tpu.memref_squeeze %dma_start3A_406 : memref<1x640x64xf32, #tpu.memory_space<vmem>> -> memref<640x64xf32, #tpu.memory_space<vmem>>
        %dma_start3A_408 = arith.constant 0 : i32
        %dma_start3A_409 = tpu.memref_slice %arg4[%add3A_402, %dma_start3A_408] : memref<3276800x64xf32, #tpu.memory_space<hbm>> -> memref<640x64xf32, #tpu.memory_space<hbm>>
        %dma_start3A_410 = arith.constant 0 : i32
        %dma_start3A_411 = tpu.memref_slice %arg4[%add3A_402, %dma_start3A_410] : memref<3276800x64xf32, #tpu.memory_space<hbm>> -> memref<640x64xf32, #tpu.memory_space<hbm>>
        %dma_start3A_412 = arith.constant 0 : i32
        %dma_start3A_413 = arith.constant 0 : i32
        %dma_start3A_414 = tpu.memref_slice %arg6[%dma_start3A_403, %dma_start3A_412, %dma_start3A_413] : memref<2x640x64xf32, #tpu.memory_space<vmem>> -> memref<1x640x64xf32, #tpu.memory_space<vmem>>
        %dma_start3A_415 = tpu.memref_squeeze %dma_start3A_414 : memref<1x640x64xf32, #tpu.memory_space<vmem>> -> memref<640x64xf32, #tpu.memory_space<vmem>>
        tpu.enqueue_dma source(%dma_start3A_415 : memref<640x64xf32, #tpu.memory_space<vmem>>) target(%dma_start3A_411 : memref<640x64xf32, #tpu.memory_space<hbm>>) target_semaphore(%arg9 : memref<!tpu.dma_semaphore, #tpu.memory_space<semaphore_mem>>)
        %mul3A_416 = arith.constant 10 : i32
        %mul3A_417 = arith.muli %add3A_37, %mul3A_416 : i32
        %add3A_418 = arith.addi %mul3A_417, %add3A_381 : i32
        %gt3A_419 = arith.constant 0 : i32
        %gt3A_420 = arith.cmpi sgt, %add3A_418, %gt3A_419 : i32
        %convert_element_type3A_421 = arith.extui %gt3A_420 : i1 to i32
        %cond3A_422 = arith.constant 0 : i32
        %cond3A_423 = arith.cmpi ne, %convert_element_type3A_421, %cond3A_422 : i32
        scf.if %cond3A_423 {
          %dma_wait3A_443 = arith.constant 0 : i32
          %dma_wait3A_444 = arith.constant 0 : i32
          %dma_wait3A_445 = arith.constant 0 : i32
          %dma_wait3A_446 = tpu.memref_slice %arg6[%dma_wait3A_443, %dma_wait3A_444, %dma_wait3A_445] : memref<2x640x64xf32, #tpu.memory_space<vmem>> -> memref<1x640x64xf32, #tpu.memory_space<vmem>>
          %dma_wait3A_447 = tpu.memref_squeeze %dma_wait3A_446 : memref<1x640x64xf32, #tpu.memory_space<vmem>> -> memref<640x64xf32, #tpu.memory_space<vmem>>
          %dma_wait3A_448 = arith.constant 0 : i32
          %dma_wait3A_449 = arith.constant 0 : i32
          %dma_wait3A_450 = tpu.memref_slice %arg4[%dma_wait3A_448, %dma_wait3A_449] : memref<3276800x64xf32, #tpu.memory_space<hbm>> -> memref<640x64xf32, #tpu.memory_space<hbm>>
          %dma_wait3A_451 = arith.constant 0 : i32
          %dma_wait3A_452 = arith.constant 0 : i32
          %dma_wait3A_453 = tpu.memref_slice %arg6[%dma_wait3A_443, %dma_wait3A_451, %dma_wait3A_452] : memref<2x640x64xf32, #tpu.memory_space<vmem>> -> memref<1x640x64xf32, #tpu.memory_space<vmem>>
          %dma_wait3A_454 = tpu.memref_squeeze %dma_wait3A_453 : memref<1x640x64xf32, #tpu.memory_space<vmem>> -> memref<640x64xf32, #tpu.memory_space<vmem>>
          %dma_wait3A_455 = arith.constant 0 : i32
          %dma_wait3A_456 = arith.constant 0 : i32
          %dma_wait3A_457 = tpu.memref_slice %arg4[%dma_wait3A_455, %dma_wait3A_456] : memref<3276800x64xf32, #tpu.memory_space<hbm>> -> memref<640x64xf32, #tpu.memory_space<hbm>>
          tpu.wait_dma2 semaphore(%arg9 : memref<!tpu.dma_semaphore, #tpu.memory_space<semaphore_mem>>) src(%dma_wait3A_457 : memref<640x64xf32, #tpu.memory_space<hbm>>) dst(%dma_wait3A_454 : memref<640x64xf32, #tpu.memory_space<vmem>>)
        } else {
        }
        %add3A_424 = arith.constant 1 : i32
        %add3A_425 = arith.addi %add3A_381, %add3A_424 : i32
        %mul3A_426 = arith.constant 640 : i32
        %mul3A_427 = arith.muli %add3A_425, %mul3A_426 : i32
        %add3A_428 = arith.constant 0 : i32
        %add3A_429 = arith.addi %mul3A_427, %add3A_428 : i32
        %dma_start3A_430 = arith.constant 0 : i32
        %dma_start3A_431 = arith.constant 0 : i32
        %dma_start3A_432 = arith.constant 0 : i32
        %dma_start3A_433 = arith.constant 0 : i32
        %dma_start3A_434 = tpu.memref_slice %arg6[%dma_start3A_431, %dma_start3A_432, %dma_start3A_433] : memref<2x640x64xf32, #tpu.memory_space<vmem>> -> memref<1x640x64xf32, #tpu.memory_space<vmem>>
        %dma_start3A_435 = tpu.memref_squeeze %dma_start3A_434 : memref<1x640x64xf32, #tpu.memory_space<vmem>> -> memref<640x64xf32, #tpu.memory_space<vmem>>
        %dma_start3A_436 = tpu.memref_slice %arg5[%dma_start3A_430, %add3A_429] : memref<2x6400xi32, #tpu.memory_space<vmem>> -> memref<1x640xi32, #tpu.memory_space<vmem>>
        %dma_start3A_437 = tpu.memref_squeeze %dma_start3A_436 : memref<1x640xi32, #tpu.memory_space<vmem>> -> memref<640xi32, #tpu.memory_space<vmem>>
        %dma_start3A_438 = arith.constant 0 : i32
        %dma_start3A_439 = tpu.memref_slice %arg3[%mul3A_4, %dma_start3A_438] : memref<160x64xf32, #tpu.memory_space<hbm>> -> memref<5x64xf32, #tpu.memory_space<hbm>>
        %dma_start3A_440 = arith.constant 0 : i32
        %dma_start3A_441 = arith.constant 0 : i32
        %dma_start3A_442 = tpu.memref_slice %dma_start3A_439[%dma_start3A_440, %dma_start3A_441] : memref<5x64xf32, #tpu.memory_space<hbm>> -> memref<5x64xf32, #tpu.memory_space<hbm>>
        tpu.enqueue_indirect_dma source(%dma_start3A_442 : memref<5x64xf32, #tpu.memory_space<hbm>>) target(%dma_start3A_435 : memref<640x64xf32, #tpu.memory_space<vmem>>) offsets(%dma_start3A_437 : memref<640xi32, #tpu.memory_space<vmem>>) semaphore(%arg8 : memref<!tpu.dma_semaphore, #tpu.memory_space<semaphore_mem>>)
      }
      %scan3A_71 = arith.constant 4 : i32
      %dma_wait3A_72 = arith.constant 0 : i32
      %dma_wait3A_73 = arith.constant 0 : i32
      %dma_wait3A_74 = arith.constant 0 : i32
      %dma_wait3A_75 = tpu.memref_slice %arg6[%dma_wait3A_72, %dma_wait3A_73, %dma_wait3A_74] : memref<2x640x64xf32, #tpu.memory_space<vmem>> -> memref<1x640x64xf32, #tpu.memory_space<vmem>>
      %dma_wait3A_76 = tpu.memref_squeeze %dma_wait3A_75 : memref<1x640x64xf32, #tpu.memory_space<vmem>> -> memref<640x64xf32, #tpu.memory_space<vmem>>
      %dma_wait3A_77 = arith.constant 0 : i32
      %dma_wait3A_78 = arith.constant 0 : i32
      %dma_wait3A_79 = tpu.memref_slice %arg4[%dma_wait3A_77, %dma_wait3A_78] : memref<3276800x64xf32, #tpu.memory_space<hbm>> -> memref<640x64xf32, #tpu.memory_space<hbm>>
      %dma_wait3A_80 = arith.constant 0 : i32
      %dma_wait3A_81 = arith.constant 0 : i32
      %dma_wait3A_82 = tpu.memref_slice %arg6[%dma_wait3A_72, %dma_wait3A_80, %dma_wait3A_81] : memref<2x640x64xf32, #tpu.memory_space<vmem>> -> memref<1x640x64xf32, #tpu.memory_space<vmem>>
      %dma_wait3A_83 = tpu.memref_squeeze %dma_wait3A_82 : memref<1x640x64xf32, #tpu.memory_space<vmem>> -> memref<640x64xf32, #tpu.memory_space<vmem>>
      %dma_wait3A_84 = arith.constant 0 : i32
      %dma_wait3A_85 = arith.constant 0 : i32
      %dma_wait3A_86 = tpu.memref_slice %arg4[%dma_wait3A_84, %dma_wait3A_85] : memref<3276800x64xf32, #tpu.memory_space<hbm>> -> memref<640x64xf32, #tpu.memory_space<hbm>>
      tpu.wait_dma2 semaphore(%arg8 : memref<!tpu.dma_semaphore, #tpu.memory_space<semaphore_mem>>) src(%dma_wait3A_86 : memref<640x64xf32, #tpu.memory_space<hbm>>) dst(%dma_wait3A_83 : memref<640x64xf32, #tpu.memory_space<vmem>>)
      %mul3A_87 = arith.constant 10 : i32
      %mul3A_88 = arith.muli %add3A_37, %mul3A_87 : i32
      %add3A_89 = arith.constant 8 : i32
      %add3A_90 = arith.addi %mul3A_88, %add3A_89 : i32
      %mul3A_91 = arith.constant 640 : i32
      %mul3A_92 = arith.muli %add3A_90, %mul3A_91 : i32
      %add3A_93 = arith.addi %mul3A_2, %mul3A_92 : i32
      %dma_start3A_94 = arith.constant 0 : i32
      %dma_start3A_95 = arith.constant 0 : i32
      %dma_start3A_96 = arith.constant 0 : i32
      %dma_start3A_97 = tpu.memref_slice %arg6[%dma_start3A_94, %dma_start3A_95, %dma_start3A_96] : memref<2x640x64xf32, #tpu.memory_space<vmem>> -> memref<1x640x64xf32, #tpu.memory_space<vmem>>
      %dma_start3A_98 = tpu.memref_squeeze %dma_start3A_97 : memref<1x640x64xf32, #tpu.memory_space<vmem>> -> memref<640x64xf32, #tpu.memory_space<vmem>>
      %dma_start3A_99 = arith.constant 0 : i32
      %dma_start3A_100 = tpu.memref_slice %arg4[%add3A_93, %dma_start3A_99] : memref<3276800x64xf32, #tpu.memory_space<hbm>> -> memref<640x64xf32, #tpu.memory_space<hbm>>
      %dma_start3A_101 = arith.constant 0 : i32
      %dma_start3A_102 = tpu.memref_slice %arg4[%add3A_93, %dma_start3A_101] : memref<3276800x64xf32, #tpu.memory_space<hbm>> -> memref<640x64xf32, #tpu.memory_space<hbm>>
      %dma_start3A_103 = arith.constant 0 : i32
      %dma_start3A_104 = arith.constant 0 : i32
      %dma_start3A_105 = tpu.memref_slice %arg6[%dma_start3A_94, %dma_start3A_103, %dma_start3A_104] : memref<2x640x64xf32, #tpu.memory_space<vmem>> -> memref<1x640x64xf32, #tpu.memory_space<vmem>>
      %dma_start3A_106 = tpu.memref_squeeze %dma_start3A_105 : memref<1x640x64xf32, #tpu.memory_space<vmem>> -> memref<640x64xf32, #tpu.memory_space<vmem>>
      tpu.enqueue_dma source(%dma_start3A_106 : memref<640x64xf32, #tpu.memory_space<vmem>>) target(%dma_start3A_102 : memref<640x64xf32, #tpu.memory_space<hbm>>) target_semaphore(%arg9 : memref<!tpu.dma_semaphore, #tpu.memory_space<semaphore_mem>>)
      %mul3A_107 = arith.constant 10 : i32
      %mul3A_108 = arith.muli %add3A_37, %mul3A_107 : i32
      %add3A_109 = arith.constant 8 : i32
      %add3A_110 = arith.addi %mul3A_108, %add3A_109 : i32
      %gt3A = arith.constant 0 : i32
      %gt3A_111 = arith.cmpi sgt, %add3A_110, %gt3A : i32
      %convert_element_type3A_112 = arith.extui %gt3A_111 : i1 to i32
      %cond3A_113 = arith.constant 0 : i32
      %cond3A_114 = arith.cmpi ne, %convert_element_type3A_112, %cond3A_113 : i32
      scf.if %cond3A_114 {
        %dma_wait3A_314 = arith.constant 1 : i32
        %dma_wait3A_315 = arith.constant 0 : i32
        %dma_wait3A_316 = arith.constant 0 : i32
        %dma_wait3A_317 = tpu.memref_slice %arg6[%dma_wait3A_314, %dma_wait3A_315, %dma_wait3A_316] : memref<2x640x64xf32, #tpu.memory_space<vmem>> -> memref<1x640x64xf32, #tpu.memory_space<vmem>>
        %dma_wait3A_318 = tpu.memref_squeeze %dma_wait3A_317 : memref<1x640x64xf32, #tpu.memory_space<vmem>> -> memref<640x64xf32, #tpu.memory_space<vmem>>
        %dma_wait3A_319 = arith.constant 0 : i32
        %dma_wait3A_320 = arith.constant 0 : i32
        %dma_wait3A_321 = tpu.memref_slice %arg4[%dma_wait3A_319, %dma_wait3A_320] : memref<3276800x64xf32, #tpu.memory_space<hbm>> -> memref<640x64xf32, #tpu.memory_space<hbm>>
        %dma_wait3A_322 = arith.constant 0 : i32
        %dma_wait3A_323 = arith.constant 0 : i32
        %dma_wait3A_324 = tpu.memref_slice %arg6[%dma_wait3A_314, %dma_wait3A_322, %dma_wait3A_323] : memref<2x640x64xf32, #tpu.memory_space<vmem>> -> memref<1x640x64xf32, #tpu.memory_space<vmem>>
        %dma_wait3A_325 = tpu.memref_squeeze %dma_wait3A_324 : memref<1x640x64xf32, #tpu.memory_space<vmem>> -> memref<640x64xf32, #tpu.memory_space<vmem>>
        %dma_wait3A_326 = arith.constant 0 : i32
        %dma_wait3A_327 = arith.constant 0 : i32
        %dma_wait3A_328 = tpu.memref_slice %arg4[%dma_wait3A_326, %dma_wait3A_327] : memref<3276800x64xf32, #tpu.memory_space<hbm>> -> memref<640x64xf32, #tpu.memory_space<hbm>>
        tpu.wait_dma2 semaphore(%arg9 : memref<!tpu.dma_semaphore, #tpu.memory_space<semaphore_mem>>) src(%dma_wait3A_328 : memref<640x64xf32, #tpu.memory_space<hbm>>) dst(%dma_wait3A_325 : memref<640x64xf32, #tpu.memory_space<vmem>>)
      } else {
      }
      %dma_start3A_115 = arith.constant 0 : i32
      %dma_start3A_116 = arith.constant 1 : i32
      %dma_start3A_117 = arith.constant 0 : i32
      %dma_start3A_118 = arith.constant 0 : i32
      %dma_start3A_119 = tpu.memref_slice %arg6[%dma_start3A_116, %dma_start3A_117, %dma_start3A_118] : memref<2x640x64xf32, #tpu.memory_space<vmem>> -> memref<1x640x64xf32, #tpu.memory_space<vmem>>
      %dma_start3A_120 = tpu.memref_squeeze %dma_start3A_119 : memref<1x640x64xf32, #tpu.memory_space<vmem>> -> memref<640x64xf32, #tpu.memory_space<vmem>>
      %dma_start3A_121 = arith.constant 5760 : i32
      %dma_start3A_122 = tpu.memref_slice %arg5[%dma_start3A_115, %dma_start3A_121] : memref<2x6400xi32, #tpu.memory_space<vmem>> -> memref<1x640xi32, #tpu.memory_space<vmem>>
      %dma_start3A_123 = tpu.memref_squeeze %dma_start3A_122 : memref<1x640xi32, #tpu.memory_space<vmem>> -> memref<640xi32, #tpu.memory_space<vmem>>
      %dma_start3A_124 = arith.constant 0 : i32
      %dma_start3A_125 = tpu.memref_slice %arg3[%mul3A_4, %dma_start3A_124] : memref<160x64xf32, #tpu.memory_space<hbm>> -> memref<5x64xf32, #tpu.memory_space<hbm>>
      %dma_start3A_126 = arith.constant 0 : i32
      %dma_start3A_127 = arith.constant 0 : i32
      %dma_start3A_128 = tpu.memref_slice %dma_start3A_125[%dma_start3A_126, %dma_start3A_127] : memref<5x64xf32, #tpu.memory_space<hbm>> -> memref<5x64xf32, #tpu.memory_space<hbm>>
      tpu.enqueue_indirect_dma source(%dma_start3A_128 : memref<5x64xf32, #tpu.memory_space<hbm>>) target(%dma_start3A_120 : memref<640x64xf32, #tpu.memory_space<vmem>>) offsets(%dma_start3A_123 : memref<640xi32, #tpu.memory_space<vmem>>) semaphore(%arg8 : memref<!tpu.dma_semaphore, #tpu.memory_space<semaphore_mem>>)
      %dma_wait3A_129 = arith.constant 1 : i32
      %dma_wait3A_130 = arith.constant 0 : i32
      %dma_wait3A_131 = arith.constant 0 : i32
      %dma_wait3A_132 = tpu.memref_slice %arg6[%dma_wait3A_129, %dma_wait3A_130, %dma_wait3A_131] : memref<2x640x64xf32, #tpu.memory_space<vmem>> -> memref<1x640x64xf32, #tpu.memory_space<vmem>>
      %dma_wait3A_133 = tpu.memref_squeeze %dma_wait3A_132 : memref<1x640x64xf32, #tpu.memory_space<vmem>> -> memref<640x64xf32, #tpu.memory_space<vmem>>
      %dma_wait3A_134 = arith.constant 0 : i32
      %dma_wait3A_135 = arith.constant 0 : i32
      %dma_wait3A_136 = tpu.memref_slice %arg4[%dma_wait3A_134, %dma_wait3A_135] : memref<3276800x64xf32, #tpu.memory_space<hbm>> -> memref<640x64xf32, #tpu.memory_space<hbm>>
      %dma_wait3A_137 = arith.constant 0 : i32
      %dma_wait3A_138 = arith.constant 0 : i32
      %dma_wait3A_139 = tpu.memref_slice %arg6[%dma_wait3A_129, %dma_wait3A_137, %dma_wait3A_138] : memref<2x640x64xf32, #tpu.memory_space<vmem>> -> memref<1x640x64xf32, #tpu.memory_space<vmem>>
      %dma_wait3A_140 = tpu.memref_squeeze %dma_wait3A_139 : memref<1x640x64xf32, #tpu.memory_space<vmem>> -> memref<640x64xf32, #tpu.memory_space<vmem>>
      %dma_wait3A_141 = arith.constant 0 : i32
      %dma_wait3A_142 = arith.constant 0 : i32
      %dma_wait3A_143 = tpu.memref_slice %arg4[%dma_wait3A_141, %dma_wait3A_142] : memref<3276800x64xf32, #tpu.memory_space<hbm>> -> memref<640x64xf32, #tpu.memory_space<hbm>>
      tpu.wait_dma2 semaphore(%arg8 : memref<!tpu.dma_semaphore, #tpu.memory_space<semaphore_mem>>) src(%dma_wait3A_143 : memref<640x64xf32, #tpu.memory_space<hbm>>) dst(%dma_wait3A_140 : memref<640x64xf32, #tpu.memory_space<vmem>>)
      %mul3A_144 = arith.constant 10 : i32
      %mul3A_145 = arith.muli %add3A_37, %mul3A_144 : i32
      %add3A_146 = arith.constant 9 : i32
      %add3A_147 = arith.addi %mul3A_145, %add3A_146 : i32
      %mul3A_148 = arith.constant 640 : i32
      %mul3A_149 = arith.muli %add3A_147, %mul3A_148 : i32
      %add3A_150 = arith.addi %mul3A_2, %mul3A_149 : i32
      %dma_start3A_151 = arith.constant 1 : i32
      %dma_start3A_152 = arith.constant 0 : i32
      %dma_start3A_153 = arith.constant 0 : i32
      %dma_start3A_154 = tpu.memref_slice %arg6[%dma_start3A_151, %dma_start3A_152, %dma_start3A_153] : memref<2x640x64xf32, #tpu.memory_space<vmem>> -> memref<1x640x64xf32, #tpu.memory_space<vmem>>
      %dma_start3A_155 = tpu.memref_squeeze %dma_start3A_154 : memref<1x640x64xf32, #tpu.memory_space<vmem>> -> memref<640x64xf32, #tpu.memory_space<vmem>>
      %dma_start3A_156 = arith.constant 0 : i32
      %dma_start3A_157 = tpu.memref_slice %arg4[%add3A_150, %dma_start3A_156] : memref<3276800x64xf32, #tpu.memory_space<hbm>> -> memref<640x64xf32, #tpu.memory_space<hbm>>
      %dma_start3A_158 = arith.constant 0 : i32
      %dma_start3A_159 = tpu.memref_slice %arg4[%add3A_150, %dma_start3A_158] : memref<3276800x64xf32, #tpu.memory_space<hbm>> -> memref<640x64xf32, #tpu.memory_space<hbm>>
      %dma_start3A_160 = arith.constant 0 : i32
      %dma_start3A_161 = arith.constant 0 : i32
      %dma_start3A_162 = tpu.memref_slice %arg6[%dma_start3A_151, %dma_start3A_160, %dma_start3A_161] : memref<2x640x64xf32, #tpu.memory_space<vmem>> -> memref<1x640x64xf32, #tpu.memory_space<vmem>>
      %dma_start3A_163 = tpu.memref_squeeze %dma_start3A_162 : memref<1x640x64xf32, #tpu.memory_space<vmem>> -> memref<640x64xf32, #tpu.memory_space<vmem>>
      tpu.enqueue_dma source(%dma_start3A_163 : memref<640x64xf32, #tpu.memory_space<vmem>>) target(%dma_start3A_159 : memref<640x64xf32, #tpu.memory_space<hbm>>) target_semaphore(%arg9 : memref<!tpu.dma_semaphore, #tpu.memory_space<semaphore_mem>>)
      %mul3A_164 = arith.constant 10 : i32
      %mul3A_165 = arith.muli %add3A_37, %mul3A_164 : i32
      %add3A_166 = arith.constant 9 : i32
      %add3A_167 = arith.addi %mul3A_165, %add3A_166 : i32
      %gt3A_168 = arith.constant 0 : i32
      %gt3A_169 = arith.cmpi sgt, %add3A_167, %gt3A_168 : i32
      %convert_element_type3A_170 = arith.extui %gt3A_169 : i1 to i32
      %cond3A_171 = arith.constant 0 : i32
      %cond3A_172 = arith.cmpi ne, %convert_element_type3A_170, %cond3A_171 : i32
      scf.if %cond3A_172 {
        %dma_wait3A_314 = arith.constant 0 : i32
        %dma_wait3A_315 = arith.constant 0 : i32
        %dma_wait3A_316 = arith.constant 0 : i32
        %dma_wait3A_317 = tpu.memref_slice %arg6[%dma_wait3A_314, %dma_wait3A_315, %dma_wait3A_316] : memref<2x640x64xf32, #tpu.memory_space<vmem>> -> memref<1x640x64xf32, #tpu.memory_space<vmem>>
        %dma_wait3A_318 = tpu.memref_squeeze %dma_wait3A_317 : memref<1x640x64xf32, #tpu.memory_space<vmem>> -> memref<640x64xf32, #tpu.memory_space<vmem>>
        %dma_wait3A_319 = arith.constant 0 : i32
        %dma_wait3A_320 = arith.constant 0 : i32
        %dma_wait3A_321 = tpu.memref_slice %arg4[%dma_wait3A_319, %dma_wait3A_320] : memref<3276800x64xf32, #tpu.memory_space<hbm>> -> memref<640x64xf32, #tpu.memory_space<hbm>>
        %dma_wait3A_322 = arith.constant 0 : i32
        %dma_wait3A_323 = arith.constant 0 : i32
        %dma_wait3A_324 = tpu.memref_slice %arg6[%dma_wait3A_314, %dma_wait3A_322, %dma_wait3A_323] : memref<2x640x64xf32, #tpu.memory_space<vmem>> -> memref<1x640x64xf32, #tpu.memory_space<vmem>>
        %dma_wait3A_325 = tpu.memref_squeeze %dma_wait3A_324 : memref<1x640x64xf32, #tpu.memory_space<vmem>> -> memref<640x64xf32, #tpu.memory_space<vmem>>
        %dma_wait3A_326 = arith.constant 0 : i32
        %dma_wait3A_327 = arith.constant 0 : i32
        %dma_wait3A_328 = tpu.memref_slice %arg4[%dma_wait3A_326, %dma_wait3A_327] : memref<3276800x64xf32, #tpu.memory_space<hbm>> -> memref<640x64xf32, #tpu.memory_space<hbm>>
        tpu.wait_dma2 semaphore(%arg9 : memref<!tpu.dma_semaphore, #tpu.memory_space<semaphore_mem>>) src(%dma_wait3A_328 : memref<640x64xf32, #tpu.memory_space<hbm>>) dst(%dma_wait3A_325 : memref<640x64xf32, #tpu.memory_space<vmem>>)
      } else {
      }
      %add3A_173 = arith.constant 1 : i32
      %add3A_174 = arith.addi %add3A_37, %add3A_173 : i32
      %add3A_175 = arith.constant 1 : i32
      %add3A_176 = arith.addi %add3A_174, %add3A_175 : i32
      %lt3A_177 = arith.constant 16 : i32
      %lt3A_178 = arith.cmpi slt, %add3A_176, %lt3A_177 : i32
      %convert_element_type3A_179 = arith.extui %lt3A_178 : i1 to i32
      %cond3A_180 = arith.constant 0 : i32
      %cond3A_181 = arith.cmpi ne, %convert_element_type3A_179, %cond3A_180 : i32
      scf.if %cond3A_181 {
        %add3A_314 = arith.constant 1 : i32
        %add3A_315 = arith.addi %add3A_174, %add3A_314 : i32
        %mul3A_316 = arith.constant 6400 : i32
        %mul3A_317 = arith.muli %add3A_315, %mul3A_316 : i32
        %add3A_318 = arith.addi %mul3A_2, %mul3A_317 : i32
        %dma_start3A_319 = arith.constant 0 : i32
        %dma_start3A_320 = arith.constant 0 : i32
        %dma_start3A_321 = tpu.memref_slice %arg5[%dma_start3A_319, %dma_start3A_320] : memref<2x6400xi32, #tpu.memory_space<vmem>> -> memref<1x6400xi32, #tpu.memory_space<vmem>>
        %dma_start3A_322 = tpu.memref_squeeze %dma_start3A_321 : memref<1x6400xi32, #tpu.memory_space<vmem>> -> memref<6400xi32, #tpu.memory_space<vmem>>
        %dma_start3A_323 = tpu.memref_slice %arg2[%add3A_318] : memref<3276800xi32, #tpu.memory_space<hbm>> -> memref<6400xi32, #tpu.memory_space<hbm>>
        %dma_start3A_324 = arith.constant 0 : i32
        %dma_start3A_325 = tpu.memref_slice %arg5[%dma_start3A_319, %dma_start3A_324] : memref<2x6400xi32, #tpu.memory_space<vmem>> -> memref<1x6400xi32, #tpu.memory_space<vmem>>
        %dma_start3A_326 = tpu.memref_squeeze %dma_start3A_325 : memref<1x6400xi32, #tpu.memory_space<vmem>> -> memref<6400xi32, #tpu.memory_space<vmem>>
        %dma_start3A_327 = tpu.memref_slice %arg2[%add3A_318] : memref<3276800xi32, #tpu.memory_space<hbm>> -> memref<6400xi32, #tpu.memory_space<hbm>>
        tpu.enqueue_dma source(%dma_start3A_327 : memref<6400xi32, #tpu.memory_space<hbm>>) target(%dma_start3A_326 : memref<6400xi32, #tpu.memory_space<vmem>>) target_semaphore(%arg7 : memref<!tpu.dma_semaphore, #tpu.memory_space<semaphore_mem>>)
      } else {
      }
      %dma_wait3A_182 = arith.constant 1 : i32
      %dma_wait3A_183 = arith.constant 0 : i32
      %dma_wait3A_184 = tpu.memref_slice %arg5[%dma_wait3A_182, %dma_wait3A_183] : memref<2x6400xi32, #tpu.memory_space<vmem>> -> memref<1x6400xi32, #tpu.memory_space<vmem>>
      %dma_wait3A_185 = tpu.memref_squeeze %dma_wait3A_184 : memref<1x6400xi32, #tpu.memory_space<vmem>> -> memref<6400xi32, #tpu.memory_space<vmem>>
      %dma_wait3A_186 = arith.constant 0 : i32
      %dma_wait3A_187 = tpu.memref_slice %arg2[%dma_wait3A_186] : memref<3276800xi32, #tpu.memory_space<hbm>> -> memref<6400xi32, #tpu.memory_space<hbm>>
      %dma_wait3A_188 = arith.constant 0 : i32
      %dma_wait3A_189 = tpu.memref_slice %arg5[%dma_wait3A_182, %dma_wait3A_188] : memref<2x6400xi32, #tpu.memory_space<vmem>> -> memref<1x6400xi32, #tpu.memory_space<vmem>>
      %dma_wait3A_190 = tpu.memref_squeeze %dma_wait3A_189 : memref<1x6400xi32, #tpu.memory_space<vmem>> -> memref<6400xi32, #tpu.memory_space<vmem>>
      %dma_wait3A_191 = arith.constant 0 : i32
      %dma_wait3A_192 = tpu.memref_slice %arg2[%dma_wait3A_191] : memref<3276800xi32, #tpu.memory_space<hbm>> -> memref<6400xi32, #tpu.memory_space<hbm>>
      tpu.wait_dma2 semaphore(%arg7 : memref<!tpu.dma_semaphore, #tpu.memory_space<semaphore_mem>>) src(%dma_wait3A_192 : memref<6400xi32, #tpu.memory_space<hbm>>) dst(%dma_wait3A_190 : memref<6400xi32, #tpu.memory_space<vmem>>)
      %dma_start3A_193 = arith.constant 1 : i32
      %dma_start3A_194 = arith.constant 0 : i32
      %dma_start3A_195 = arith.constant 0 : i32
      %dma_start3A_196 = arith.constant 0 : i32
      %dma_start3A_197 = tpu.memref_slice %arg6[%dma_start3A_194, %dma_start3A_195, %dma_start3A_196] : memref<2x640x64xf32, #tpu.memory_space<vmem>> -> memref<1x640x64xf32, #tpu.memory_space<vmem>>
      %dma_start3A_198 = tpu.memref_squeeze %dma_start3A_197 : memref<1x640x64xf32, #tpu.memory_space<vmem>> -> memref<640x64xf32, #tpu.memory_space<vmem>>
      %dma_start3A_199 = arith.constant 0 : i32
      %dma_start3A_200 = tpu.memref_slice %arg5[%dma_start3A_193, %dma_start3A_199] : memref<2x6400xi32, #tpu.memory_space<vmem>> -> memref<1x640xi32, #tpu.memory_space<vmem>>
      %dma_start3A_201 = tpu.memref_squeeze %dma_start3A_200 : memref<1x640xi32, #tpu.memory_space<vmem>> -> memref<640xi32, #tpu.memory_space<vmem>>
      %dma_start3A_202 = arith.constant 0 : i32
      %dma_start3A_203 = tpu.memref_slice %arg3[%mul3A_4, %dma_start3A_202] : memref<160x64xf32, #tpu.memory_space<hbm>> -> memref<5x64xf32, #tpu.memory_space<hbm>>
      %dma_start3A_204 = arith.constant 0 : i32
      %dma_start3A_205 = arith.constant 0 : i32
      %dma_start3A_206 = tpu.memref_slice %dma_start3A_203[%dma_start3A_204, %dma_start3A_205] : memref<5x64xf32, #tpu.memory_space<hbm>> -> memref<5x64xf32, #tpu.memory_space<hbm>>
      tpu.enqueue_indirect_dma source(%dma_start3A_206 : memref<5x64xf32, #tpu.memory_space<hbm>>) target(%dma_start3A_198 : memref<640x64xf32, #tpu.memory_space<vmem>>) offsets(%dma_start3A_201 : memref<640xi32, #tpu.memory_space<vmem>>) semaphore(%arg8 : memref<!tpu.dma_semaphore, #tpu.memory_space<semaphore_mem>>)
      %scan3A_207 = arith.constant 0 : i32
      %scan3A_208 = arith.constant 4 : i32
      %scan3A_209 = arith.addi %scan3A_207, %scan3A_208 : i32
      %scan3A_210 = arith.constant 1 : i32
      scf.for %scan3A_314 = %scan3A_207 to %scan3A_209 step %scan3A_210  : i32 {
        %mul3A_315 = arith.constant 2 : i32
        %mul3A_316 = arith.muli %scan3A_314, %mul3A_315 : i32
        %add3A_317 = arith.constant 0 : i32
        %add3A_318 = arith.addi %add3A_317, %mul3A_316 : i32
        %dma_wait3A_319 = arith.constant 0 : i32
        %dma_wait3A_320 = arith.constant 0 : i32
        %dma_wait3A_321 = arith.constant 0 : i32
        %dma_wait3A_322 = tpu.memref_slice %arg6[%dma_wait3A_319, %dma_wait3A_320, %dma_wait3A_321] : memref<2x640x64xf32, #tpu.memory_space<vmem>> -> memref<1x640x64xf32, #tpu.memory_space<vmem>>
        %dma_wait3A_323 = tpu.memref_squeeze %dma_wait3A_322 : memref<1x640x64xf32, #tpu.memory_space<vmem>> -> memref<640x64xf32, #tpu.memory_space<vmem>>
        %dma_wait3A_324 = arith.constant 0 : i32
        %dma_wait3A_325 = arith.constant 0 : i32
        %dma_wait3A_326 = tpu.memref_slice %arg4[%dma_wait3A_324, %dma_wait3A_325] : memref<3276800x64xf32, #tpu.memory_space<hbm>> -> memref<640x64xf32, #tpu.memory_space<hbm>>
        %dma_wait3A_327 = arith.constant 0 : i32
        %dma_wait3A_328 = arith.constant 0 : i32
        %dma_wait3A_329 = tpu.memref_slice %arg6[%dma_wait3A_319, %dma_wait3A_327, %dma_wait3A_328] : memref<2x640x64xf32, #tpu.memory_space<vmem>> -> memref<1x640x64xf32, #tpu.memory_space<vmem>>
        %dma_wait3A_330 = tpu.memref_squeeze %dma_wait3A_329 : memref<1x640x64xf32, #tpu.memory_space<vmem>> -> memref<640x64xf32, #tpu.memory_space<vmem>>
        %dma_wait3A_331 = arith.constant 0 : i32
        %dma_wait3A_332 = arith.constant 0 : i32
        %dma_wait3A_333 = tpu.memref_slice %arg4[%dma_wait3A_331, %dma_wait3A_332] : memref<3276800x64xf32, #tpu.memory_space<hbm>> -> memref<640x64xf32, #tpu.memory_space<hbm>>
        tpu.wait_dma2 semaphore(%arg8 : memref<!tpu.dma_semaphore, #tpu.memory_space<semaphore_mem>>) src(%dma_wait3A_333 : memref<640x64xf32, #tpu.memory_space<hbm>>) dst(%dma_wait3A_330 : memref<640x64xf32, #tpu.memory_space<vmem>>)
        %mul3A_334 = arith.constant 10 : i32
        %mul3A_335 = arith.muli %add3A_174, %mul3A_334 : i32
        %add3A_336 = arith.addi %mul3A_335, %add3A_318 : i32
        %mul3A_337 = arith.constant 640 : i32
        %mul3A_338 = arith.muli %add3A_336, %mul3A_337 : i32
        %add3A_339 = arith.addi %mul3A_2, %mul3A_338 : i32
        %dma_start3A_340 = arith.constant 0 : i32
        %dma_start3A_341 = arith.constant 0 : i32
        %dma_start3A_342 = arith.constant 0 : i32
        %dma_start3A_343 = tpu.memref_slice %arg6[%dma_start3A_340, %dma_start3A_341, %dma_start3A_342] : memref<2x640x64xf32, #tpu.memory_space<vmem>> -> memref<1x640x64xf32, #tpu.memory_space<vmem>>
        %dma_start3A_344 = tpu.memref_squeeze %dma_start3A_343 : memref<1x640x64xf32, #tpu.memory_space<vmem>> -> memref<640x64xf32, #tpu.memory_space<vmem>>
        %dma_start3A_345 = arith.constant 0 : i32
        %dma_start3A_346 = tpu.memref_slice %arg4[%add3A_339, %dma_start3A_345] : memref<3276800x64xf32, #tpu.memory_space<hbm>> -> memref<640x64xf32, #tpu.memory_space<hbm>>
        %dma_start3A_347 = arith.constant 0 : i32
        %dma_start3A_348 = tpu.memref_slice %arg4[%add3A_339, %dma_start3A_347] : memref<3276800x64xf32, #tpu.memory_space<hbm>> -> memref<640x64xf32, #tpu.memory_space<hbm>>
        %dma_start3A_349 = arith.constant 0 : i32
        %dma_start3A_350 = arith.constant 0 : i32
        %dma_start3A_351 = tpu.memref_slice %arg6[%dma_start3A_340, %dma_start3A_349, %dma_start3A_350] : memref<2x640x64xf32, #tpu.memory_space<vmem>> -> memref<1x640x64xf32, #tpu.memory_space<vmem>>
        %dma_start3A_352 = tpu.memref_squeeze %dma_start3A_351 : memref<1x640x64xf32, #tpu.memory_space<vmem>> -> memref<640x64xf32, #tpu.memory_space<vmem>>
        tpu.enqueue_dma source(%dma_start3A_352 : memref<640x64xf32, #tpu.memory_space<vmem>>) target(%dma_start3A_348 : memref<640x64xf32, #tpu.memory_space<hbm>>) target_semaphore(%arg9 : memref<!tpu.dma_semaphore, #tpu.memory_space<semaphore_mem>>)
        %mul3A_353 = arith.constant 10 : i32
        %mul3A_354 = arith.muli %add3A_174, %mul3A_353 : i32
        %add3A_355 = arith.addi %mul3A_354, %add3A_318 : i32
        %gt3A_356 = arith.constant 0 : i32
        %gt3A_357 = arith.cmpi sgt, %add3A_355, %gt3A_356 : i32
        %convert_element_type3A_358 = arith.extui %gt3A_357 : i1 to i32
        %cond3A_359 = arith.constant 0 : i32
        %cond3A_360 = arith.cmpi ne, %convert_element_type3A_358, %cond3A_359 : i32
        scf.if %cond3A_360 {
          %dma_wait3A_443 = arith.constant 1 : i32
          %dma_wait3A_444 = arith.constant 0 : i32
          %dma_wait3A_445 = arith.constant 0 : i32
          %dma_wait3A_446 = tpu.memref_slice %arg6[%dma_wait3A_443, %dma_wait3A_444, %dma_wait3A_445] : memref<2x640x64xf32, #tpu.memory_space<vmem>> -> memref<1x640x64xf32, #tpu.memory_space<vmem>>
          %dma_wait3A_447 = tpu.memref_squeeze %dma_wait3A_446 : memref<1x640x64xf32, #tpu.memory_space<vmem>> -> memref<640x64xf32, #tpu.memory_space<vmem>>
          %dma_wait3A_448 = arith.constant 0 : i32
          %dma_wait3A_449 = arith.constant 0 : i32
          %dma_wait3A_450 = tpu.memref_slice %arg4[%dma_wait3A_448, %dma_wait3A_449] : memref<3276800x64xf32, #tpu.memory_space<hbm>> -> memref<640x64xf32, #tpu.memory_space<hbm>>
          %dma_wait3A_451 = arith.constant 0 : i32
          %dma_wait3A_452 = arith.constant 0 : i32
          %dma_wait3A_453 = tpu.memref_slice %arg6[%dma_wait3A_443, %dma_wait3A_451, %dma_wait3A_452] : memref<2x640x64xf32, #tpu.memory_space<vmem>> -> memref<1x640x64xf32, #tpu.memory_space<vmem>>
          %dma_wait3A_454 = tpu.memref_squeeze %dma_wait3A_453 : memref<1x640x64xf32, #tpu.memory_space<vmem>> -> memref<640x64xf32, #tpu.memory_space<vmem>>
          %dma_wait3A_455 = arith.constant 0 : i32
          %dma_wait3A_456 = arith.constant 0 : i32
          %dma_wait3A_457 = tpu.memref_slice %arg4[%dma_wait3A_455, %dma_wait3A_456] : memref<3276800x64xf32, #tpu.memory_space<hbm>> -> memref<640x64xf32, #tpu.memory_space<hbm>>
          tpu.wait_dma2 semaphore(%arg9 : memref<!tpu.dma_semaphore, #tpu.memory_space<semaphore_mem>>) src(%dma_wait3A_457 : memref<640x64xf32, #tpu.memory_space<hbm>>) dst(%dma_wait3A_454 : memref<640x64xf32, #tpu.memory_space<vmem>>)
        } else {
        }
        %add3A_361 = arith.constant 1 : i32
        %add3A_362 = arith.addi %add3A_318, %add3A_361 : i32
        %mul3A_363 = arith.constant 640 : i32
        %mul3A_364 = arith.muli %add3A_362, %mul3A_363 : i32
        %add3A_365 = arith.constant 0 : i32
        %add3A_366 = arith.addi %mul3A_364, %add3A_365 : i32
        %dma_start3A_367 = arith.constant 1 : i32
        %dma_start3A_368 = arith.constant 1 : i32
        %dma_start3A_369 = arith.constant 0 : i32
        %dma_start3A_370 = arith.constant 0 : i32
        %dma_start3A_371 = tpu.memref_slice %arg6[%dma_start3A_368, %dma_start3A_369, %dma_start3A_370] : memref<2x640x64xf32, #tpu.memory_space<vmem>> -> memref<1x640x64xf32, #tpu.memory_space<vmem>>
        %dma_start3A_372 = tpu.memref_squeeze %dma_start3A_371 : memref<1x640x64xf32, #tpu.memory_space<vmem>> -> memref<640x64xf32, #tpu.memory_space<vmem>>
        %dma_start3A_373 = tpu.memref_slice %arg5[%dma_start3A_367, %add3A_366] : memref<2x6400xi32, #tpu.memory_space<vmem>> -> memref<1x640xi32, #tpu.memory_space<vmem>>
        %dma_start3A_374 = tpu.memref_squeeze %dma_start3A_373 : memref<1x640xi32, #tpu.memory_space<vmem>> -> memref<640xi32, #tpu.memory_space<vmem>>
        %dma_start3A_375 = arith.constant 0 : i32
        %dma_start3A_376 = tpu.memref_slice %arg3[%mul3A_4, %dma_start3A_375] : memref<160x64xf32, #tpu.memory_space<hbm>> -> memref<5x64xf32, #tpu.memory_space<hbm>>
        %dma_start3A_377 = arith.constant 0 : i32
        %dma_start3A_378 = arith.constant 0 : i32
        %dma_start3A_379 = tpu.memref_slice %dma_start3A_376[%dma_start3A_377, %dma_start3A_378] : memref<5x64xf32, #tpu.memory_space<hbm>> -> memref<5x64xf32, #tpu.memory_space<hbm>>
        tpu.enqueue_indirect_dma source(%dma_start3A_379 : memref<5x64xf32, #tpu.memory_space<hbm>>) target(%dma_start3A_372 : memref<640x64xf32, #tpu.memory_space<vmem>>) offsets(%dma_start3A_374 : memref<640xi32, #tpu.memory_space<vmem>>) semaphore(%arg8 : memref<!tpu.dma_semaphore, #tpu.memory_space<semaphore_mem>>)
        %add3A_380 = arith.constant 1 : i32
        %add3A_381 = arith.addi %add3A_318, %add3A_380 : i32
        %dma_wait3A_382 = arith.constant 1 : i32
        %dma_wait3A_383 = arith.constant 0 : i32
        %dma_wait3A_384 = arith.constant 0 : i32
        %dma_wait3A_385 = tpu.memref_slice %arg6[%dma_wait3A_382, %dma_wait3A_383, %dma_wait3A_384] : memref<2x640x64xf32, #tpu.memory_space<vmem>> -> memref<1x640x64xf32, #tpu.memory_space<vmem>>
        %dma_wait3A_386 = tpu.memref_squeeze %dma_wait3A_385 : memref<1x640x64xf32, #tpu.memory_space<vmem>> -> memref<640x64xf32, #tpu.memory_space<vmem>>
        %dma_wait3A_387 = arith.constant 0 : i32
        %dma_wait3A_388 = arith.constant 0 : i32
        %dma_wait3A_389 = tpu.memref_slice %arg4[%dma_wait3A_387, %dma_wait3A_388] : memref<3276800x64xf32, #tpu.memory_space<hbm>> -> memref<640x64xf32, #tpu.memory_space<hbm>>
        %dma_wait3A_390 = arith.constant 0 : i32
        %dma_wait3A_391 = arith.constant 0 : i32
        %dma_wait3A_392 = tpu.memref_slice %arg6[%dma_wait3A_382, %dma_wait3A_390, %dma_wait3A_391] : memref<2x640x64xf32, #tpu.memory_space<vmem>> -> memref<1x640x64xf32, #tpu.memory_space<vmem>>
        %dma_wait3A_393 = tpu.memref_squeeze %dma_wait3A_392 : memref<1x640x64xf32, #tpu.memory_space<vmem>> -> memref<640x64xf32, #tpu.memory_space<vmem>>
        %dma_wait3A_394 = arith.constant 0 : i32
        %dma_wait3A_395 = arith.constant 0 : i32
        %dma_wait3A_396 = tpu.memref_slice %arg4[%dma_wait3A_394, %dma_wait3A_395] : memref<3276800x64xf32, #tpu.memory_space<hbm>> -> memref<640x64xf32, #tpu.memory_space<hbm>>
        tpu.wait_dma2 semaphore(%arg8 : memref<!tpu.dma_semaphore, #tpu.memory_space<semaphore_mem>>) src(%dma_wait3A_396 : memref<640x64xf32, #tpu.memory_space<hbm>>) dst(%dma_wait3A_393 : memref<640x64xf32, #tpu.memory_space<vmem>>)
        %mul3A_397 = arith.constant 10 : i32
        %mul3A_398 = arith.muli %add3A_174, %mul3A_397 : i32
        %add3A_399 = arith.addi %mul3A_398, %add3A_381 : i32
        %mul3A_400 = arith.constant 640 : i32
        %mul3A_401 = arith.muli %add3A_399, %mul3A_400 : i32
        %add3A_402 = arith.addi %mul3A_2, %mul3A_401 : i32
        %dma_start3A_403 = arith.constant 1 : i32
        %dma_start3A_404 = arith.constant 0 : i32
        %dma_start3A_405 = arith.constant 0 : i32
        %dma_start3A_406 = tpu.memref_slice %arg6[%dma_start3A_403, %dma_start3A_404, %dma_start3A_405] : memref<2x640x64xf32, #tpu.memory_space<vmem>> -> memref<1x640x64xf32, #tpu.memory_space<vmem>>
        %dma_start3A_407 = tpu.memref_squeeze %dma_start3A_406 : memref<1x640x64xf32, #tpu.memory_space<vmem>> -> memref<640x64xf32, #tpu.memory_space<vmem>>
        %dma_start3A_408 = arith.constant 0 : i32
        %dma_start3A_409 = tpu.memref_slice %arg4[%add3A_402, %dma_start3A_408] : memref<3276800x64xf32, #tpu.memory_space<hbm>> -> memref<640x64xf32, #tpu.memory_space<hbm>>
        %dma_start3A_410 = arith.constant 0 : i32
        %dma_start3A_411 = tpu.memref_slice %arg4[%add3A_402, %dma_start3A_410] : memref<3276800x64xf32, #tpu.memory_space<hbm>> -> memref<640x64xf32, #tpu.memory_space<hbm>>
        %dma_start3A_412 = arith.constant 0 : i32
        %dma_start3A_413 = arith.constant 0 : i32
        %dma_start3A_414 = tpu.memref_slice %arg6[%dma_start3A_403, %dma_start3A_412, %dma_start3A_413] : memref<2x640x64xf32, #tpu.memory_space<vmem>> -> memref<1x640x64xf32, #tpu.memory_space<vmem>>
        %dma_start3A_415 = tpu.memref_squeeze %dma_start3A_414 : memref<1x640x64xf32, #tpu.memory_space<vmem>> -> memref<640x64xf32, #tpu.memory_space<vmem>>
        tpu.enqueue_dma source(%dma_start3A_415 : memref<640x64xf32, #tpu.memory_space<vmem>>) target(%dma_start3A_411 : memref<640x64xf32, #tpu.memory_space<hbm>>) target_semaphore(%arg9 : memref<!tpu.dma_semaphore, #tpu.memory_space<semaphore_mem>>)
        %mul3A_416 = arith.constant 10 : i32
        %mul3A_417 = arith.muli %add3A_174, %mul3A_416 : i32
        %add3A_418 = arith.addi %mul3A_417, %add3A_381 : i32
        %gt3A_419 = arith.constant 0 : i32
        %gt3A_420 = arith.cmpi sgt, %add3A_418, %gt3A_419 : i32
        %convert_element_type3A_421 = arith.extui %gt3A_420 : i1 to i32
        %cond3A_422 = arith.constant 0 : i32
        %cond3A_423 = arith.cmpi ne, %convert_element_type3A_421, %cond3A_422 : i32
        scf.if %cond3A_423 {
          %dma_wait3A_443 = arith.constant 0 : i32
          %dma_wait3A_444 = arith.constant 0 : i32
          %dma_wait3A_445 = arith.constant 0 : i32
          %dma_wait3A_446 = tpu.memref_slice %arg6[%dma_wait3A_443, %dma_wait3A_444, %dma_wait3A_445] : memref<2x640x64xf32, #tpu.memory_space<vmem>> -> memref<1x640x64xf32, #tpu.memory_space<vmem>>
          %dma_wait3A_447 = tpu.memref_squeeze %dma_wait3A_446 : memref<1x640x64xf32, #tpu.memory_space<vmem>> -> memref<640x64xf32, #tpu.memory_space<vmem>>
          %dma_wait3A_448 = arith.constant 0 : i32
          %dma_wait3A_449 = arith.constant 0 : i32
          %dma_wait3A_450 = tpu.memref_slice %arg4[%dma_wait3A_448, %dma_wait3A_449] : memref<3276800x64xf32, #tpu.memory_space<hbm>> -> memref<640x64xf32, #tpu.memory_space<hbm>>
          %dma_wait3A_451 = arith.constant 0 : i32
          %dma_wait3A_452 = arith.constant 0 : i32
          %dma_wait3A_453 = tpu.memref_slice %arg6[%dma_wait3A_443, %dma_wait3A_451, %dma_wait3A_452] : memref<2x640x64xf32, #tpu.memory_space<vmem>> -> memref<1x640x64xf32, #tpu.memory_space<vmem>>
          %dma_wait3A_454 = tpu.memref_squeeze %dma_wait3A_453 : memref<1x640x64xf32, #tpu.memory_space<vmem>> -> memref<640x64xf32, #tpu.memory_space<vmem>>
          %dma_wait3A_455 = arith.constant 0 : i32
          %dma_wait3A_456 = arith.constant 0 : i32
          %dma_wait3A_457 = tpu.memref_slice %arg4[%dma_wait3A_455, %dma_wait3A_456] : memref<3276800x64xf32, #tpu.memory_space<hbm>> -> memref<640x64xf32, #tpu.memory_space<hbm>>
          tpu.wait_dma2 semaphore(%arg9 : memref<!tpu.dma_semaphore, #tpu.memory_space<semaphore_mem>>) src(%dma_wait3A_457 : memref<640x64xf32, #tpu.memory_space<hbm>>) dst(%dma_wait3A_454 : memref<640x64xf32, #tpu.memory_space<vmem>>)
        } else {
        }
        %add3A_424 = arith.constant 1 : i32
        %add3A_425 = arith.addi %add3A_381, %add3A_424 : i32
        %mul3A_426 = arith.constant 640 : i32
        %mul3A_427 = arith.muli %add3A_425, %mul3A_426 : i32
        %add3A_428 = arith.constant 0 : i32
        %add3A_429 = arith.addi %mul3A_427, %add3A_428 : i32
        %dma_start3A_430 = arith.constant 1 : i32
        %dma_start3A_431 = arith.constant 0 : i32
        %dma_start3A_432 = arith.constant 0 : i32
        %dma_start3A_433 = arith.constant 0 : i32
        %dma_start3A_434 = tpu.memref_slice %arg6[%dma_start3A_431, %dma_start3A_432, %dma_start3A_433] : memref<2x640x64xf32, #tpu.memory_space<vmem>> -> memref<1x640x64xf32, #tpu.memory_space<vmem>>
        %dma_start3A_435 = tpu.memref_squeeze %dma_start3A_434 : memref<1x640x64xf32, #tpu.memory_space<vmem>> -> memref<640x64xf32, #tpu.memory_space<vmem>>
        %dma_start3A_436 = tpu.memref_slice %arg5[%dma_start3A_430, %add3A_429] : memref<2x6400xi32, #tpu.memory_space<vmem>> -> memref<1x640xi32, #tpu.memory_space<vmem>>
        %dma_start3A_437 = tpu.memref_squeeze %dma_start3A_436 : memref<1x640xi32, #tpu.memory_space<vmem>> -> memref<640xi32, #tpu.memory_space<vmem>>
        %dma_start3A_438 = arith.constant 0 : i32
        %dma_start3A_439 = tpu.memref_slice %arg3[%mul3A_4, %dma_start3A_438] : memref<160x64xf32, #tpu.memory_space<hbm>> -> memref<5x64xf32, #tpu.memory_space<hbm>>
        %dma_start3A_440 = arith.constant 0 : i32
        %dma_start3A_441 = arith.constant 0 : i32
        %dma_start3A_442 = tpu.memref_slice %dma_start3A_439[%dma_start3A_440, %dma_start3A_441] : memref<5x64xf32, #tpu.memory_space<hbm>> -> memref<5x64xf32, #tpu.memory_space<hbm>>
        tpu.enqueue_indirect_dma source(%dma_start3A_442 : memref<5x64xf32, #tpu.memory_space<hbm>>) target(%dma_start3A_435 : memref<640x64xf32, #tpu.memory_space<vmem>>) offsets(%dma_start3A_437 : memref<640xi32, #tpu.memory_space<vmem>>) semaphore(%arg8 : memref<!tpu.dma_semaphore, #tpu.memory_space<semaphore_mem>>)
      }
      %scan3A_211 = arith.constant 4 : i32
      %dma_wait3A_212 = arith.constant 0 : i32
      %dma_wait3A_213 = arith.constant 0 : i32
      %dma_wait3A_214 = arith.constant 0 : i32
      %dma_wait3A_215 = tpu.memref_slice %arg6[%dma_wait3A_212, %dma_wait3A_213, %dma_wait3A_214] : memref<2x640x64xf32, #tpu.memory_space<vmem>> -> memref<1x640x64xf32, #tpu.memory_space<vmem>>
      %dma_wait3A_216 = tpu.memref_squeeze %dma_wait3A_215 : memref<1x640x64xf32, #tpu.memory_space<vmem>> -> memref<640x64xf32, #tpu.memory_space<vmem>>
      %dma_wait3A_217 = arith.constant 0 : i32
      %dma_wait3A_218 = arith.constant 0 : i32
      %dma_wait3A_219 = tpu.memref_slice %arg4[%dma_wait3A_217, %dma_wait3A_218] : memref<3276800x64xf32, #tpu.memory_space<hbm>> -> memref<640x64xf32, #tpu.memory_space<hbm>>
      %dma_wait3A_220 = arith.constant 0 : i32
      %dma_wait3A_221 = arith.constant 0 : i32
      %dma_wait3A_222 = tpu.memref_slice %arg6[%dma_wait3A_212, %dma_wait3A_220, %dma_wait3A_221] : memref<2x640x64xf32, #tpu.memory_space<vmem>> -> memref<1x640x64xf32, #tpu.memory_space<vmem>>
      %dma_wait3A_223 = tpu.memref_squeeze %dma_wait3A_222 : memref<1x640x64xf32, #tpu.memory_space<vmem>> -> memref<640x64xf32, #tpu.memory_space<vmem>>
      %dma_wait3A_224 = arith.constant 0 : i32
      %dma_wait3A_225 = arith.constant 0 : i32
      %dma_wait3A_226 = tpu.memref_slice %arg4[%dma_wait3A_224, %dma_wait3A_225] : memref<3276800x64xf32, #tpu.memory_space<hbm>> -> memref<640x64xf32, #tpu.memory_space<hbm>>
      tpu.wait_dma2 semaphore(%arg8 : memref<!tpu.dma_semaphore, #tpu.memory_space<semaphore_mem>>) src(%dma_wait3A_226 : memref<640x64xf32, #tpu.memory_space<hbm>>) dst(%dma_wait3A_223 : memref<640x64xf32, #tpu.memory_space<vmem>>)
      %mul3A_227 = arith.constant 10 : i32
      %mul3A_228 = arith.muli %add3A_174, %mul3A_227 : i32
      %add3A_229 = arith.constant 8 : i32
      %add3A_230 = arith.addi %mul3A_228, %add3A_229 : i32
      %mul3A_231 = arith.constant 640 : i32
      %mul3A_232 = arith.muli %add3A_230, %mul3A_231 : i32
      %add3A_233 = arith.addi %mul3A_2, %mul3A_232 : i32
      %dma_start3A_234 = arith.constant 0 : i32
      %dma_start3A_235 = arith.constant 0 : i32
      %dma_start3A_236 = arith.constant 0 : i32
      %dma_start3A_237 = tpu.memref_slice %arg6[%dma_start3A_234, %dma_start3A_235, %dma_start3A_236] : memref<2x640x64xf32, #tpu.memory_space<vmem>> -> memref<1x640x64xf32, #tpu.memory_space<vmem>>
      %dma_start3A_238 = tpu.memref_squeeze %dma_start3A_237 : memref<1x640x64xf32, #tpu.memory_space<vmem>> -> memref<640x64xf32, #tpu.memory_space<vmem>>
      %dma_start3A_239 = arith.constant 0 : i32
      %dma_start3A_240 = tpu.memref_slice %arg4[%add3A_233, %dma_start3A_239] : memref<3276800x64xf32, #tpu.memory_space<hbm>> -> memref<640x64xf32, #tpu.memory_space<hbm>>
      %dma_start3A_241 = arith.constant 0 : i32
      %dma_start3A_242 = tpu.memref_slice %arg4[%add3A_233, %dma_start3A_241] : memref<3276800x64xf32, #tpu.memory_space<hbm>> -> memref<640x64xf32, #tpu.memory_space<hbm>>
      %dma_start3A_243 = arith.constant 0 : i32
      %dma_start3A_244 = arith.constant 0 : i32
      %dma_start3A_245 = tpu.memref_slice %arg6[%dma_start3A_234, %dma_start3A_243, %dma_start3A_244] : memref<2x640x64xf32, #tpu.memory_space<vmem>> -> memref<1x640x64xf32, #tpu.memory_space<vmem>>
      %dma_start3A_246 = tpu.memref_squeeze %dma_start3A_245 : memref<1x640x64xf32, #tpu.memory_space<vmem>> -> memref<640x64xf32, #tpu.memory_space<vmem>>
      tpu.enqueue_dma source(%dma_start3A_246 : memref<640x64xf32, #tpu.memory_space<vmem>>) target(%dma_start3A_242 : memref<640x64xf32, #tpu.memory_space<hbm>>) target_semaphore(%arg9 : memref<!tpu.dma_semaphore, #tpu.memory_space<semaphore_mem>>)
      %mul3A_247 = arith.constant 10 : i32
      %mul3A_248 = arith.muli %add3A_174, %mul3A_247 : i32
      %add3A_249 = arith.constant 8 : i32
      %add3A_250 = arith.addi %mul3A_248, %add3A_249 : i32
      %gt3A_251 = arith.constant 0 : i32
      %gt3A_252 = arith.cmpi sgt, %add3A_250, %gt3A_251 : i32
      %convert_element_type3A_253 = arith.extui %gt3A_252 : i1 to i32
      %cond3A_254 = arith.constant 0 : i32
      %cond3A_255 = arith.cmpi ne, %convert_element_type3A_253, %cond3A_254 : i32
      scf.if %cond3A_255 {
        %dma_wait3A_314 = arith.constant 1 : i32
        %dma_wait3A_315 = arith.constant 0 : i32
        %dma_wait3A_316 = arith.constant 0 : i32
        %dma_wait3A_317 = tpu.memref_slice %arg6[%dma_wait3A_314, %dma_wait3A_315, %dma_wait3A_316] : memref<2x640x64xf32, #tpu.memory_space<vmem>> -> memref<1x640x64xf32, #tpu.memory_space<vmem>>
        %dma_wait3A_318 = tpu.memref_squeeze %dma_wait3A_317 : memref<1x640x64xf32, #tpu.memory_space<vmem>> -> memref<640x64xf32, #tpu.memory_space<vmem>>
        %dma_wait3A_319 = arith.constant 0 : i32
        %dma_wait3A_320 = arith.constant 0 : i32
        %dma_wait3A_321 = tpu.memref_slice %arg4[%dma_wait3A_319, %dma_wait3A_320] : memref<3276800x64xf32, #tpu.memory_space<hbm>> -> memref<640x64xf32, #tpu.memory_space<hbm>>
        %dma_wait3A_322 = arith.constant 0 : i32
        %dma_wait3A_323 = arith.constant 0 : i32
        %dma_wait3A_324 = tpu.memref_slice %arg6[%dma_wait3A_314, %dma_wait3A_322, %dma_wait3A_323] : memref<2x640x64xf32, #tpu.memory_space<vmem>> -> memref<1x640x64xf32, #tpu.memory_space<vmem>>
        %dma_wait3A_325 = tpu.memref_squeeze %dma_wait3A_324 : memref<1x640x64xf32, #tpu.memory_space<vmem>> -> memref<640x64xf32, #tpu.memory_space<vmem>>
        %dma_wait3A_326 = arith.constant 0 : i32
        %dma_wait3A_327 = arith.constant 0 : i32
        %dma_wait3A_328 = tpu.memref_slice %arg4[%dma_wait3A_326, %dma_wait3A_327] : memref<3276800x64xf32, #tpu.memory_space<hbm>> -> memref<640x64xf32, #tpu.memory_space<hbm>>
        tpu.wait_dma2 semaphore(%arg9 : memref<!tpu.dma_semaphore, #tpu.memory_space<semaphore_mem>>) src(%dma_wait3A_328 : memref<640x64xf32, #tpu.memory_space<hbm>>) dst(%dma_wait3A_325 : memref<640x64xf32, #tpu.memory_space<vmem>>)
      } else {
      }
      %dma_start3A_256 = arith.constant 1 : i32
      %dma_start3A_257 = arith.constant 1 : i32
      %dma_start3A_258 = arith.constant 0 : i32
      %dma_start3A_259 = arith.constant 0 : i32
      %dma_start3A_260 = tpu.memref_slice %arg6[%dma_start3A_257, %dma_start3A_258, %dma_start3A_259] : memref<2x640x64xf32, #tpu.memory_space<vmem>> -> memref<1x640x64xf32, #tpu.memory_space<vmem>>
      %dma_start3A_261 = tpu.memref_squeeze %dma_start3A_260 : memref<1x640x64xf32, #tpu.memory_space<vmem>> -> memref<640x64xf32, #tpu.memory_space<vmem>>
      %dma_start3A_262 = arith.constant 5760 : i32
      %dma_start3A_263 = tpu.memref_slice %arg5[%dma_start3A_256, %dma_start3A_262] : memref<2x6400xi32, #tpu.memory_space<vmem>> -> memref<1x640xi32, #tpu.memory_space<vmem>>
      %dma_start3A_264 = tpu.memref_squeeze %dma_start3A_263 : memref<1x640xi32, #tpu.memory_space<vmem>> -> memref<640xi32, #tpu.memory_space<vmem>>
      %dma_start3A_265 = arith.constant 0 : i32
      %dma_start3A_266 = tpu.memref_slice %arg3[%mul3A_4, %dma_start3A_265] : memref<160x64xf32, #tpu.memory_space<hbm>> -> memref<5x64xf32, #tpu.memory_space<hbm>>
      %dma_start3A_267 = arith.constant 0 : i32
      %dma_start3A_268 = arith.constant 0 : i32
      %dma_start3A_269 = tpu.memref_slice %dma_start3A_266[%dma_start3A_267, %dma_start3A_268] : memref<5x64xf32, #tpu.memory_space<hbm>> -> memref<5x64xf32, #tpu.memory_space<hbm>>
      tpu.enqueue_indirect_dma source(%dma_start3A_269 : memref<5x64xf32, #tpu.memory_space<hbm>>) target(%dma_start3A_261 : memref<640x64xf32, #tpu.memory_space<vmem>>) offsets(%dma_start3A_264 : memref<640xi32, #tpu.memory_space<vmem>>) semaphore(%arg8 : memref<!tpu.dma_semaphore, #tpu.memory_space<semaphore_mem>>)
      %dma_wait3A_270 = arith.constant 1 : i32
      %dma_wait3A_271 = arith.constant 0 : i32
      %dma_wait3A_272 = arith.constant 0 : i32
      %dma_wait3A_273 = tpu.memref_slice %arg6[%dma_wait3A_270, %dma_wait3A_271, %dma_wait3A_272] : memref<2x640x64xf32, #tpu.memory_space<vmem>> -> memref<1x640x64xf32, #tpu.memory_space<vmem>>
      %dma_wait3A_274 = tpu.memref_squeeze %dma_wait3A_273 : memref<1x640x64xf32, #tpu.memory_space<vmem>> -> memref<640x64xf32, #tpu.memory_space<vmem>>
      %dma_wait3A_275 = arith.constant 0 : i32
      %dma_wait3A_276 = arith.constant 0 : i32
      %dma_wait3A_277 = tpu.memref_slice %arg4[%dma_wait3A_275, %dma_wait3A_276] : memref<3276800x64xf32, #tpu.memory_space<hbm>> -> memref<640x64xf32, #tpu.memory_space<hbm>>
      %dma_wait3A_278 = arith.constant 0 : i32
      %dma_wait3A_279 = arith.constant 0 : i32
      %dma_wait3A_280 = tpu.memref_slice %arg6[%dma_wait3A_270, %dma_wait3A_278, %dma_wait3A_279] : memref<2x640x64xf32, #tpu.memory_space<vmem>> -> memref<1x640x64xf32, #tpu.memory_space<vmem>>
      %dma_wait3A_281 = tpu.memref_squeeze %dma_wait3A_280 : memref<1x640x64xf32, #tpu.memory_space<vmem>> -> memref<640x64xf32, #tpu.memory_space<vmem>>
      %dma_wait3A_282 = arith.constant 0 : i32
      %dma_wait3A_283 = arith.constant 0 : i32
      %dma_wait3A_284 = tpu.memref_slice %arg4[%dma_wait3A_282, %dma_wait3A_283] : memref<3276800x64xf32, #tpu.memory_space<hbm>> -> memref<640x64xf32, #tpu.memory_space<hbm>>
      tpu.wait_dma2 semaphore(%arg8 : memref<!tpu.dma_semaphore, #tpu.memory_space<semaphore_mem>>) src(%dma_wait3A_284 : memref<640x64xf32, #tpu.memory_space<hbm>>) dst(%dma_wait3A_281 : memref<640x64xf32, #tpu.memory_space<vmem>>)
      %mul3A_285 = arith.constant 10 : i32
      %mul3A_286 = arith.muli %add3A_174, %mul3A_285 : i32
      %add3A_287 = arith.constant 9 : i32
      %add3A_288 = arith.addi %mul3A_286, %add3A_287 : i32
      %mul3A_289 = arith.constant 640 : i32
      %mul3A_290 = arith.muli %add3A_288, %mul3A_289 : i32
      %add3A_291 = arith.addi %mul3A_2, %mul3A_290 : i32
      %dma_start3A_292 = arith.constant 1 : i32
      %dma_start3A_293 = arith.constant 0 : i32
      %dma_start3A_294 = arith.constant 0 : i32
      %dma_start3A_295 = tpu.memref_slice %arg6[%dma_start3A_292, %dma_start3A_293, %dma_start3A_294] : memref<2x640x64xf32, #tpu.memory_space<vmem>> -> memref<1x640x64xf32, #tpu.memory_space<vmem>>
      %dma_start3A_296 = tpu.memref_squeeze %dma_start3A_295 : memref<1x640x64xf32, #tpu.memory_space<vmem>> -> memref<640x64xf32, #tpu.memory_space<vmem>>
      %dma_start3A_297 = arith.constant 0 : i32
      %dma_start3A_298 = tpu.memref_slice %arg4[%add3A_291, %dma_start3A_297] : memref<3276800x64xf32, #tpu.memory_space<hbm>> -> memref<640x64xf32, #tpu.memory_space<hbm>>
      %dma_start3A_299 = arith.constant 0 : i32
      %dma_start3A_300 = tpu.memref_slice %arg4[%add3A_291, %dma_start3A_299] : memref<3276800x64xf32, #tpu.memory_space<hbm>> -> memref<640x64xf32, #tpu.memory_space<hbm>>
      %dma_start3A_301 = arith.constant 0 : i32
      %dma_start3A_302 = arith.constant 0 : i32
      %dma_start3A_303 = tpu.memref_slice %arg6[%dma_start3A_292, %dma_start3A_301, %dma_start3A_302] : memref<2x640x64xf32, #tpu.memory_space<vmem>> -> memref<1x640x64xf32, #tpu.memory_space<vmem>>
      %dma_start3A_304 = tpu.memref_squeeze %dma_start3A_303 : memref<1x640x64xf32, #tpu.memory_space<vmem>> -> memref<640x64xf32, #tpu.memory_space<vmem>>
      tpu.enqueue_dma source(%dma_start3A_304 : memref<640x64xf32, #tpu.memory_space<vmem>>) target(%dma_start3A_300 : memref<640x64xf32, #tpu.memory_space<hbm>>) target_semaphore(%arg9 : memref<!tpu.dma_semaphore, #tpu.memory_space<semaphore_mem>>)
      %mul3A_305 = arith.constant 10 : i32
      %mul3A_306 = arith.muli %add3A_174, %mul3A_305 : i32
      %add3A_307 = arith.constant 9 : i32
      %add3A_308 = arith.addi %mul3A_306, %add3A_307 : i32
      %gt3A_309 = arith.constant 0 : i32
      %gt3A_310 = arith.cmpi sgt, %add3A_308, %gt3A_309 : i32
      %convert_element_type3A_311 = arith.extui %gt3A_310 : i1 to i32
      %cond3A_312 = arith.constant 0 : i32
      %cond3A_313 = arith.cmpi ne, %convert_element_type3A_311, %cond3A_312 : i32
      scf.if %cond3A_313 {
        %dma_wait3A_314 = arith.constant 0 : i32
        %dma_wait3A_315 = arith.constant 0 : i32
        %dma_wait3A_316 = arith.constant 0 : i32
        %dma_wait3A_317 = tpu.memref_slice %arg6[%dma_wait3A_314, %dma_wait3A_315, %dma_wait3A_316] : memref<2x640x64xf32, #tpu.memory_space<vmem>> -> memref<1x640x64xf32, #tpu.memory_space<vmem>>
        %dma_wait3A_318 = tpu.memref_squeeze %dma_wait3A_317 : memref<1x640x64xf32, #tpu.memory_space<vmem>> -> memref<640x64xf32, #tpu.memory_space<vmem>>
        %dma_wait3A_319 = arith.constant 0 : i32
        %dma_wait3A_320 = arith.constant 0 : i32
        %dma_wait3A_321 = tpu.memref_slice %arg4[%dma_wait3A_319, %dma_wait3A_320] : memref<3276800x64xf32, #tpu.memory_space<hbm>> -> memref<640x64xf32, #tpu.memory_space<hbm>>
        %dma_wait3A_322 = arith.constant 0 : i32
        %dma_wait3A_323 = arith.constant 0 : i32
        %dma_wait3A_324 = tpu.memref_slice %arg6[%dma_wait3A_314, %dma_wait3A_322, %dma_wait3A_323] : memref<2x640x64xf32, #tpu.memory_space<vmem>> -> memref<1x640x64xf32, #tpu.memory_space<vmem>>
        %dma_wait3A_325 = tpu.memref_squeeze %dma_wait3A_324 : memref<1x640x64xf32, #tpu.memory_space<vmem>> -> memref<640x64xf32, #tpu.memory_space<vmem>>
        %dma_wait3A_326 = arith.constant 0 : i32
        %dma_wait3A_327 = arith.constant 0 : i32
        %dma_wait3A_328 = tpu.memref_slice %arg4[%dma_wait3A_326, %dma_wait3A_327] : memref<3276800x64xf32, #tpu.memory_space<hbm>> -> memref<640x64xf32, #tpu.memory_space<hbm>>
        tpu.wait_dma2 semaphore(%arg9 : memref<!tpu.dma_semaphore, #tpu.memory_space<semaphore_mem>>) src(%dma_wait3A_328 : memref<640x64xf32, #tpu.memory_space<hbm>>) dst(%dma_wait3A_325 : memref<640x64xf32, #tpu.memory_space<vmem>>)
      } else {
      }
    }
    %scan3A_18 = arith.constant 8 : i32
    %dma_wait3A = arith.constant 1 : i32
    %dma_wait3A_19 = arith.constant 0 : i32
    %dma_wait3A_20 = arith.constant 0 : i32
    %dma_wait3A_21 = tpu.memref_slice %arg6[%dma_wait3A, %dma_wait3A_19, %dma_wait3A_20] : memref<2x640x64xf32, #tpu.memory_space<vmem>> -> memref<1x640x64xf32, #tpu.memory_space<vmem>>
    %dma_wait3A_22 = tpu.memref_squeeze %dma_wait3A_21 : memref<1x640x64xf32, #tpu.memory_space<vmem>> -> memref<640x64xf32, #tpu.memory_space<vmem>>
    %dma_wait3A_23 = arith.constant 0 : i32
    %dma_wait3A_24 = arith.constant 0 : i32
    %dma_wait3A_25 = tpu.memref_slice %arg4[%dma_wait3A_23, %dma_wait3A_24] : memref<3276800x64xf32, #tpu.memory_space<hbm>> -> memref<640x64xf32, #tpu.memory_space<hbm>>
    %dma_wait3A_26 = arith.constant 0 : i32
    %dma_wait3A_27 = arith.constant 0 : i32
    %dma_wait3A_28 = tpu.memref_slice %arg6[%dma_wait3A, %dma_wait3A_26, %dma_wait3A_27] : memref<2x640x64xf32, #tpu.memory_space<vmem>> -> memref<1x640x64xf32, #tpu.memory_space<vmem>>
    %dma_wait3A_29 = tpu.memref_squeeze %dma_wait3A_28 : memref<1x640x64xf32, #tpu.memory_space<vmem>> -> memref<640x64xf32, #tpu.memory_space<vmem>>
    %dma_wait3A_30 = arith.constant 0 : i32
    %dma_wait3A_31 = arith.constant 0 : i32
    %dma_wait3A_32 = tpu.memref_slice %arg4[%dma_wait3A_30, %dma_wait3A_31] : memref<3276800x64xf32, #tpu.memory_space<hbm>> -> memref<640x64xf32, #tpu.memory_space<hbm>>
    tpu.wait_dma2 semaphore(%arg9 : memref<!tpu.dma_semaphore, #tpu.memory_space<semaphore_mem>>) src(%dma_wait3A_32 : memref<640x64xf32, #tpu.memory_space<hbm>>) dst(%dma_wait3A_29 : memref<640x64xf32, #tpu.memory_space<vmem>>)
    return
  }
}

</mosaic_0001>

<sc_bundles>
// kernel: kernel.3.cloned.1.call-start
scs
__scs_entry_jumppad:
0x0: {  	(pc) =	sbr.rel $0x88, $3  }
0x1: {  	(tag) =	ssettag $0x0;
	lr =	simm.s32 $0x1  }
0x2: {  	[smem:$0x3F9F] =	sst lr;
	_ =	strace $0xD0000000  }
0x3: {  	_ = 	snop  }
0x4: {  	_ = 	snop  }
0x5: {  	_ = 	snop  }
0x6: {  	_ = 	snop  }
0x7: {  	_ = 	snop  }
__scs_overlays_trampoline_lowered:
0x8: {  	[smem:$0x3FAE] =	sst s0  }
0x9: {  	[smem:$0x3FAF] =	sst s1  }
0xa: {  	[smem:$0x3FB0] =	sst s2  }
0xb: {  	[smem:$0x3FB1] =	sst s3  }
0xc: {  	[smem:$0x3FB2] =	sst s4  }
0xd: {  	[smem:$0x3FB3] =	sst s5  }
0xe: {  	[smem:$0x3FB4] =	sst s6  }
0xf: {  	[smem:$0x3FB5] =	sst s7  }
0x10: {  	[smem:$0x3FB6] =	sst s8  }
0x11: {  	[smem:$0x3FB7] =	sst s9;
	s0 =	simm.s32 @!p0 $0x0  }
0x12: {  	s1 =	sld [smem:$0x3F9D];
	s0 =	simm.s32 @p0 $0x1  }
0x13: {  	[smem:$0x3FB8] =	sst s0;
	s0 =	simm.s32 @!p1 $0x0  }
0x14: {  	s2 =	sld [smem:$0x3F9C];
	s0 =	simm.s32 @p1 $0x1  }
0x15: {  	[smem:$0x3FB9] =	sst s0;
	s0 =	simm.s32 @!p2 $0x0  }
0x16: {  	s3 =	sld [smem:$0x3FDB];
	s0 =	simm.s32 @p2 $0x1  }
0x17: {  	s4 =	simm.s32 $0x1BF5;
	[smem:$0x3FBB] =	sst s0  }
0x18: {  	s0 =	sld [smem:$0x3F9E];
	_ =	swait.ge [sflag:s4], $0x0  }
0x19: {  	s7 =	sld [smem:$0x3F9F]  }
0x1a: {  	s8 =	sadd.s32 $0xFFFFE003, lr  }
0x1b: {  	s9 =	sadd.s32 $0xFFFFFEF7, lr;
	s5 =	simm.s32 $0xFFFFFFFF;
	p2 =	slt.u32 s8, $0xFFFFF086  }
0x1c: {  	p1 =	slt.u32 s9, $0xF7A;
	s5 =	simm.s32 @!p2 $0x0  }
0x1d: {  	s5 =	simm.s32 @p1 $0x1;
	p0 =	seq.s32 s7, s2  }
0x1e: {  	s7 =	smul.u32 @!p0 $0xF7A, s2;
	p2 =	seq.s32 @!p0 s5, $0x0  }
0x1f: {  	s9 =	smul.u32 $0xF7A, s1;
	s8 =	simm.s32 @!p0 $0x1BF5;
	p2 =	por !p2, p0  }
0x20: {  	[sflag:s8] =	ssyncset.s32 @!p0 $0xFFFFF086;
	s6 =	sadd.s32 @!p0 s3, s7;
	s7 =	simm.s32 @!p0 $0x108  }
0x21: {  	s3 =	sadd.s32 s3, s9;
	s6 =	sadd.s32 @!p0 $0x88, s6;
	s7 =	simm.s32 @p2 $0x1082  }
0x22: {  	[simem:s7], [sflag:s8] =	dma.local @!p0 [hbm:s6], $0xF7A  }
0x23: {  	s9 =	sor.u32 $0xD0000000, s2;
	s6 =	simm.s32 $0x108;
	_ =	swait.ge @!p0 [sflag:s8], $0x0  }
0x24: {  	s3 =	sadd.s32 $0x88, s3;
	s6 =	simm.s32 @!p1 $0x1082;
	[sflag:s4] =	ssyncset.s32 $0xFFFFF086  }
0x25: {  	[simem:s6], [sflag:s4] =	dma.local [hbm:s3], $0xF7A  }
0x26: {  	[smem:$0x3F9F] =	sst s1;
	(tag) =	ssettag s2;
	_ =	strace s9  }
0x27: {  	s1 =	sld [smem:$0x3FAF]  }
0x28: {  	s2 =	sld [smem:$0x3FB0]  }
0x29: {  	s4 =	sld [smem:$0x3FB2]  }
0x2a: {  	p0 =	seq.s32 s5, $0x0;
	s5 =	sld [smem:$0x3FB3]  }
0x2b: {  	s6 =	sld [smem:$0x3FB4]  }
0x2c: {  	s7 =	sld [smem:$0x3FB5]  }
0x2d: {  	s3 =	simm.s32 $0x108;
	s8 =	sld [smem:$0x3FB6]  }
0x2e: {  	s3 =	simm.s32 @!p0 $0x1082;
	s9 =	sld [smem:$0x3FB7]  }
0x2f: {  	lr =	sadd.s32 s0, s3;
	s0 =	sld [smem:$0x3FAE]  }
0x30: {  	s3 =	sld [smem:$0x3FB1]  }
0x31: {  	[smem:$0x3FBA] =	sst s10  }
0x32: {  	s10 =	sld [smem:$0x3FB8];
	_ =	sdelay $0x3  }
0x33: {  	p0 =	seq.s32 s10, $0x1;
	s10 =	sld [smem:$0x3FBA];
	_ =	sdelay $0x3  }
0x34: {  	[smem:$0x3FBA] =	sst s10  }
0x35: {  	s10 =	sld [smem:$0x3FB9];
	_ =	sdelay $0x3  }
0x36: {  	p1 =	seq.s32 s10, $0x1;
	s10 =	sld [smem:$0x3FBA];
	_ =	sdelay $0x3  }
0x37: {  	[smem:$0x3FBA] =	sst s10  }
0x38: {  	s10 =	sld [smem:$0x3FBB]  }
0x39: {  	_ = 	snop;
	(pc) =	sbr.ind lr, $3  }
0x3a: {  	_ = 	snop  }
0x3b: {  	_ = 	snop  }
0x3c: {  	p2 =	seq.s32 s10, $0x1;
	s10 =	sld [smem:$0x3FBA]  }
0x3d: {  	_ =	shalt  }
0x3e: {  	_ =	shalt  }
0x3f: {  	_ =	shalt  }
0x40: {  	_ =	shalt  }
0x41: {  	_ =	shalt  }
0x42: {  	_ =	shalt  }
0x43: {  	_ =	shalt  }
0x44: {  	_ =	shalt  }
0x45: {  	_ =	shalt  }
0x46: {  	_ =	shalt  }
0x47: {  	_ =	shalt  }
0x48: {  	_ =	shalt  }
0x49: {  	_ =	shalt  }
0x4a: {  	_ =	shalt  }
0x4b: {  	_ =	shalt  }
0x4c: {  	_ =	shalt  }
0x4d: {  	_ =	shalt  }
0x4e: {  	_ =	shalt  }
0x4f: {  	_ =	shalt  }
0x50: {  	_ =	shalt  }
0x51: {  	_ =	shalt  }
0x52: {  	_ =	shalt  }
0x53: {  	_ =	shalt  }
0x54: {  	_ =	shalt  }
0x55: {  	_ =	shalt  }
0x56: {  	_ =	shalt  }
0x57: {  	_ =	shalt  }
0x58: {  	_ =	shalt  }
0x59: {  	_ =	shalt  }
0x5a: {  	_ =	shalt  }
0x5b: {  	_ =	shalt  }
0x5c: {  	_ =	shalt  }
0x5d: {  	_ =	shalt  }
0x5e: {  	_ =	shalt  }
0x5f: {  	_ =	shalt  }
0x60: {  	_ =	shalt  }
0x61: {  	_ =	shalt  }
0x62: {  	_ =	shalt  }
0x63: {  	_ =	shalt  }
0x64: {  	_ =	shalt  }
0x65: {  	_ =	shalt  }
0x66: {  	_ =	shalt  }
0x67: {  	_ =	shalt  }
0x68: {  	_ =	shalt  }
0x69: {  	_ =	shalt  }
0x6a: {  	_ =	shalt  }
0x6b: {  	_ =	shalt  }
0x6c: {  	_ =	shalt  }
0x6d: {  	_ =	shalt  }
0x6e: {  	_ =	shalt  }
0x6f: {  	_ =	shalt  }
0x70: {  	_ =	shalt  }
0x71: {  	_ =	shalt  }
0x72: {  	_ =	shalt  }
0x73: {  	_ =	shalt  }
0x74: {  	_ =	shalt  }
0x75: {  	_ =	shalt  }
0x76: {  	_ =	shalt  }
0x77: {  	_ =	shalt  }
0x78: {  	_ =	shalt  }
0x79: {  	_ =	shalt  }
0x7a: {  	_ =	shalt  }
0x7b: {  	_ =	shalt  }
0x7c: {  	_ =	shalt  }
0x7d: {  	_ =	shalt  }
0x7e: {  	_ =	shalt  }
0x7f: {  	_ =	shalt  }
0x80: {  	_ =	shalt  }
0x81: {  	_ =	shalt  }
0x82: {  	_ =	shalt  }
0x83: {  	_ =	shalt  }
0x84: {  	_ =	shalt  }
0x85: {  	_ =	shalt  }
0x86: {  	_ =	shalt  }
0x87: {  	_ =	shalt  }
.Lfunc_end0:
.L_simem_size_0:
called_computation.1_lowered:
.L_overlay_start_0:
0x88: {  	s2 =	sld [smem:$0x3FD9]  }
0x89: {  	s3 =	sld [smem:$0x3FFE];
	_ =	sdelay $0x1  }
0x8a: {  	s1 =	srdreg.scid  }
0x8b: {  	s0 =	sand.u32 $0x1, s1  }
0x8c: {  	s17 =	sshll.u32 s0, $0xA;
	s2 =	sadd.s32 s3, s2  }
0x8d: {  	s2 =	sadd.s32 s2, s17  }
0x8e: {  	[smem:$0x3FC6] =	sst s2  }
0x8f: {  	_ = 	snop  }
0x90: {  	s2 =	sld [smem:$0x3FD0];
	(tm) =	ssettm $0x1  }
0x91: {  	s18 =	sld [smem:$0x3FFB];
	_ =	sdelay $0x3  }
0x92: {  	_ =	strace s18  }
0x93: {  	s3 =	sld [smem:$0x3FFC];
	_ =	sdelay $0x3  }
0x94: {  	_ =	strace s3  }
0x95: {  	s3 =	sld [smem:$0x3FFD];
	_ =	sdelay $0x3  }
0x96: {  	_ =	strace s3  }
0x97: {  	_ =	strace $0x8FFFFFFF  }
0x98: {  	s19 =	sld [smem:$0x3FDB];
	_ =	sdelay $0x1  }
0x99: {  	s4 =	simm.s32 $_scs_section_size  }
0x9a: {  	s5 =	simm.s32 $_size__tile_overlayer_lowered;
	s6 =	simm.s32 $_tile_overlayer_lowered  }
0x9b: {  	s22 =	simm.s32 $0x1BFF;
	s21 =	sshll.u32 s6, $0x1;
	s3 =	sadd.s32 s4, s19  }
0x9c: {  	s7 =	simm.s32 $0x0;
	s20 =	sshll.u32 s5, $0x1;
	s5 =	sadd.s32 s21, s3  }
0x9d: {  	[timem:s7], [sflag:s22] =	dma.local [hbm:s5], s20  }
0x9e: {  	_ =	swait.ge [sflag:s22], s20  }
0x9f: {  	s4 =	ssub.s32 $0x0, s20;
	[sflag:s22] =	ssyncset.done $0x0  }
0xa0: {  	[sflag:s22] =	ssyncadd.s32 s4;
	_ =	sdelay $0x1  }
0xa1: {  	s23 =	simm.s32 $0x1B8B  }
0xa2: {  	_ =	swait.ge [sflag:s23], $0x1  }
0xa3: {  	[sflag:s23] =	ssyncset.done $0x0  }
0xa4: {  	s25 =	simm.s32 $0x1B8E;
	s24 =	sld [smem:$0x3FFE];
	[sflag:s23] =	ssyncadd.s32 $0xFFFFFFFF  }
0xa5: {  	s26 =	simm.s32 $execute0_lowered;
	[smem:$0x3FD2] =	sst s25  }
0xa6: {  	s5 =	sshll.u32 s26, $0x1;
	_ =	strace $0x80000046;
	[dreg:$0x1] =	wrdreg $0xFFFFFFFF  }
0xa7: {  	s28 =	simm.s32 $_size_execute0_lowered;
	s3 =	sadd.s32 s3, s5;
	[dreg:$0x0] =	wrdreg $0x0  }
0xa8: {  	s5 =	sshll.u32 s28, $0x1;
	[dreg:$0x2] =	wrdreg s3  }
0xa9: {  	[dreg:$0x3] =	wrdreg s5  }
0xaa: {  	[dreg:$0x4] =	wrdreg $0xC0  }
0xab: {  	_ =	task [dreg:s7], $0x5FFFF  }
0xac: {  	[dreg:$0x1] =	wrdreg $0xFFFFFFFF  }
0xad: {  	[dreg:$0x0] =	wrdreg $0x60  }
0xae: {  	[dreg:$0x2] =	wrdreg s24  }
0xaf: {  	[dreg:$0x3] =	wrdreg s2  }
0xb0: {  	[dreg:$0x4] =	wrdreg $0x9  }
0xb1: {  	_ =	task.clear_ibuf [dreg:s7], $0x5FFFF;
	_ =	strace $0x90000046  }
0xb2: {  	s29 =	simm.s32 $0x9;
	_ =	strace $0x80000048  }
0xb3: {  	_ =	swait.ge [sflag:s29], $0x1  }
0xb4: {  	[sflag:s29] =	ssyncadd.s32 $0xFFFFFFFF  }
0xb5: {  	_ =	strace $0x90000048  }
0xb6: {  	_ =	sfence  }
0xb7: {  	s30 =	sld [smem:$0x0];
	_ =	sdelay $0x2  }
0xb8: {  	s31 =	sshll.u32 s1, $0xD;
	s1 =	sshrl.u32 s1, $0x2  }
0xb9: {  	s3 =	sand.u32 $0x4000, s31;
	s1 =	sadd.s32 s1, s30  }
0xba: {  	s0 =	sor.u32 s3, s0;
	s1 =	sshll.u32 s1, $0x11  }
0xbb: {  	s0 =	sor.u32 s1, s0  }
0xbc: {  	s0 =	sadd.s32 $0x8F2B, s0  }
0xbd: {  	[sflag:s0] =	ssyncadd.remote.s32 $0x1  }
0xbe: {  	_ =	sfence.sel $0xFFFF  }
0xbf: {  	[dreg:$0x0] =	wrdreg $0xFFFFFFFF;
	(pc) =	sbr.abs _section_cstart, $3  }
0xc0: {  	[dreg:$0x1] =	wrdreg $0xFFFFFFFF  }
0xc1: {  	_ =	task.clear_ibuf [dreg:s7], $0x2FFFF;
	_ =	strace $0x9FFFFFFF  }
0xc2: {  	(tm) =	ssettm $0x7FFFFFFF  }
0xc3: {  	_ =	shalt  }
tec
execute0_lowered:
.L_overlay_start_1:
0x0: {  	(tag) =	ssettag $0x1  }
0x1: {  	s1 =	srdreg.scid;
	s0 =	stileid.u32  }
0x2: {  	s4 =	sand.u32 $0x1, s1;
	s23 =	smul.u32 $0x32000, s0  }
0x3: {  	s5 =	rddreg [dreg:$0x0];
	s2 =	smul.u32 $0x19000, s4  }
0x4: {  	s3 =	rddreg [dreg:$0x1]  }
0x5: {  	s1 =	rddreg [dreg:$0x2];
	s8 =	sadd.s32 s2, s23;
	s2 =	simm.s32 $0x0  }
0x6: {  	s18 =	simm.s32 $0x500;
	[smem:$0x7FF] =	sst s2  }
0x7: {  	s20 =	simm.s32 $0x780;
	_ =	strace $0x80000047;
	[dreg:$0x13] =	wrdreg s18  }
0x8: {  	s21 =	simm.s32 $0xA00;
	s22 =	simm.s32 $0xC80;
	[dreg:$0x14] =	wrdreg s20  }
0x9: {  	s23 =	simm.s32 $0xF00;
	s7 =	sadd.s32 $0x1900, s8;
	[dreg:$0x15] =	wrdreg s21  }
0xa: {  	s9 =	sshll.u32 s8, $0x3;
	s6 =	sshll.u32 s7, $0x3;
	[dreg:$0x16] =	wrdreg s22  }
0xb: {  	s9 =	sadd.s32 s9, s3;
	[dreg:$0x17] =	wrdreg s23;
	s6 =	sadd.s32 s6, s3  }
0xc: {  	s24 =	sadd.s32 $0x16800, s9;
	[dreg:$0x3] =	wrdreg s6  }
0xd: {  	s25 =	sadd.s32 $0x17C00, s9;
	[dreg:$0x4] =	wrdreg s24  }
0xe: {  	s26 =	sadd.s32 $0xDC00, s9;
	[dreg:$0x5] =	wrdreg s25  }
0xf: {  	s28 =	sadd.s32 $0xF000, s9;
	[dreg:$0x6] =	wrdreg s26  }
0x10: {  	s29 =	sadd.s32 $0x10400, s9;
	[dreg:$0x7] =	wrdreg s28  }
0x11: {  	s10 =	smul.u32 $0x190000, s0;
	s30 =	sadd.s32 $0x11800, s9;
	[dreg:$0x8] =	wrdreg s29  }
0x12: {  	s31 =	sadd.s32 $0x12C00, s9;
	[dreg:$0x9] =	wrdreg s30  }
0x13: {  	s3 =	sadd.s32 s10, s3;
	s10 =	sadd.s32 $0x15400, s9;
	[dreg:$0xa] =	wrdreg s31  }
0x14: {  	s13 =	sadd.s32 $0xB400, s9;
	[dreg:$0xc] =	wrdreg s10  }
0x15: {  	s14 =	sadd.s32 $0x8C00, s9;
	[dreg:$0xe] =	wrdreg s13  }
0x16: {  	s11 =	smul.u32 $0xC8000, s4;
	s16 =	sadd.s32 $0x6400, s9;
	[dreg:$0xf] =	wrdreg s14  }
0x17: {  	s17 =	sadd.s32 $0x3C00, s9;
	[dreg:$0x10] =	wrdreg s16  }
0x18: {  	s3 =	sadd.s32 s11, s3;
	[dreg:$0x11] =	wrdreg s17  }
0x19: {  	s11 =	sadd.s32 $0xA000, s9;
	[dreg:$0xb] =	wrdreg s3  }
0x1a: {  	s12 =	sshll.u32 s0, $0x1;
	s9 =	sadd.s32 $0x1400, s9;
	[dreg:$0xd] =	wrdreg s11  }
0x1b: {  	s8 =	sadd.s32 $0x3200, s8;
	s24 =	simm.s32 $0x1180;
	[dreg:$0x12] =	wrdreg s9  }
0x1c: {  	s7 =	sshrl.u32 s7, $0x3;
	s25 =	simm.s32 $0x1400;
	[dreg:$0x18] =	wrdreg s24  }
0x1d: {  	s6 =	sor.u32 s4, s12;
	s26 =	simm.s32 $0x1680;
	[dreg:$0x19] =	wrdreg s25  }
0x1e: {  	s4 =	ssub.s32 $0x2, s4;
	s28 =	simm.s32 $0x1B80;
	[dreg:$0x1a] =	wrdreg s26  }
0x1f: {  	s29 =	simm.s32 $0x1E00;
	s30 =	simm.s32 $0x2080;
	[dreg:$0x1b] =	wrdreg s28  }
0x20: {  	s31 =	simm.s32 $0x2300;
	s12 =	simm.s32 $0x2580;
	[dreg:$0x1c] =	wrdreg s29  }
0x21: {  	s13 =	simm.s32 $0x2800;
	s14 =	simm.s32 $0x2A80;
	[dreg:$0x1d] =	wrdreg s30  }
0x22: {  	s16 =	simm.s32 $0x2F80;
	s15 =	smul.u32 $0x28, s6;
	[dreg:$0x1e] =	wrdreg s31  }
0x23: {  	s3 =	sadd.s32 $0xE00, s5;
	s19 =	sshrl.u32 s4, $0x1;
	[dreg:$0x1f] =	wrdreg s12  }
0x24: {  	s6 =	smul.u32 $0x19000, s6;
	s9 =	simm.s32 $0x1900;
	[smem:$0x7FA] =	sst s13  }
0x25: {  	s11 =	simm.s32 $0x280;
	s12 =	simm.s32 $0x3200;
	[smem:$0x7FB] =	sst s14  }
0x26: {  	s13 =	simm.s32 $0x2;
	s14 =	simm.s32 $0xD200;
	[smem:$0x7FD] =	sst s16  }
0x27: {  	s16 =	simm.s32 $0x0;
	s10 =	ssub.s32 s4, s19;
	s7 =	sadd.s32 s7, s3  }
0x28: {  	s5 =	sadd.s32 s15, s5;
	s6 =	sshrl.u32 s6, $0x3;
	s15 =	simm.s32 $0x2D00  }
0x29: {  	s4 =	sadd.s32 s3, s6;
	s5 =	sadd.s32 $0x800, s5;
	s6 =	smax.u32 s10, $0x1  }
0x2a: {  	s10 =	simm.s32 $0x1;
	[smem:$0x7FC] =	sst s15;
	s15 =	simm.s32 $0x3  }
.LBB2_1:
0x2b: {  	[tilespmem:s2], [sflag:$0x1] =	stream.linear.gather [hbm4b:s4+s2], $0x1900, $0x38;
	[tilespmem:$0x17200] =	vst v63  }
0x2c: {  	_ = 	snop  }
0x2d: {  	[tilespmem:s9], [sflag:$0x1] =	stream.linear.gather [hbm4b:s7+s2], $0x1900, $0x38;
	[tilespmem:$0x17200] =	vst v63  }
0x2e: {  	_ =	swait.ge [sflag:s10], $0x1900  }
0x2f: {  	[sflag:s10] =	ssyncset.done $0x0  }
0x30: {  	[sflag:s10] =	ssyncadd.s32 $0xFFFFE700  }
0x31: {  	[tilespmem:s12], [sflag:$0x2] =	stream.indirect.gather [hbm4b:s5+s11], $0x40, s2, s11, $0xb8;
	[tilespmem:$0x17200] =	vst v63  }
0x32: {  	_ =	swait.ge [sflag:s13], $0xA000  }
0x33: {  	p0 =	por $0x1, $0x1;
	s17 =	rddreg [dreg:$0xb];
	[sflag:s13] =	ssyncset.done $0x0  }
0x34: {  	s18 =	simm.s32 @!p0 $0x3;
	[sflag:s13] =	ssyncadd.s32 $0xFFFF6000;
	s17 =	sadd.s32 $0x0, s17  }
0x35: {  	[hbm4b:s17+s2] =	stream.linear.scatter [tilespmem:s12], [sflag:$0x3], $0xA000, $0x38;
	[tilespmem:$0x17200] =	vst v63  }
0x36: {  	_ =	swait.ge @!p0 [sflag:s18], $0xA000  }
0x37: {  	[sflag:s18] =	ssyncset.done @!p0 $0x0  }
0x38: {  	[sflag:s18] =	ssyncadd.s32 @!p0 $0xFFFF6000  }
0x39: {  	[tilespmem:s14], [sflag:$0x2] =	stream.indirect.gather [hbm4b:s5+s11], $0x40, s11, s11, $0xb8;
	[tilespmem:$0x17200] =	vst v63  }
0x3a: {  	_ =	swait.ge [sflag:s13], $0xA000  }
0x3b: {  	s20 =	rddreg [dreg:$0x12];
	[sflag:s13] =	ssyncset.done $0x0  }
0x3c: {  	[sflag:s13] =	ssyncadd.s32 $0xFFFF6000;
	s18 =	sadd.s32 $0x0, s20  }
0x3d: {  	[hbm4b:s18+s2] =	stream.linear.scatter [tilespmem:s14], [sflag:$0x3], $0xA000, $0x38;
	[tilespmem:$0x17200] =	vst v63  }
0x3e: {  	_ =	swait.ge [sflag:s15], $0xA000  }
0x3f: {  	[sflag:s15] =	ssyncset.done $0x0  }
0x40: {  	s21 =	rddreg [dreg:$0x13];
	[sflag:s15] =	ssyncadd.s32 $0xFFFF6000  }
0x41: {  	[tilespmem:s12], [sflag:$0x2] =	stream.indirect.gather [hbm4b:s5+s11], $0x40, s21, s11, $0xb8;
	[tilespmem:$0x17200] =	vst v63  }
0x42: {  	_ =	swait.ge [sflag:s13], $0xA000  }
0x43: {  	[sflag:s13] =	ssyncset.done $0x0  }
0x44: {  	s22 =	sadd.s32 $0x2800, s17;
	[sflag:s13] =	ssyncadd.s32 $0xFFFF6000  }
0x45: {  	[hbm4b:s22+s2] =	stream.linear.scatter [tilespmem:s12], [sflag:$0x3], $0xA000, $0x38;
	[tilespmem:$0x17200] =	vst v63  }
0x46: {  	_ =	swait.ge [sflag:s15], $0xA000  }
0x47: {  	[sflag:s15] =	ssyncset.done $0x0  }
0x48: {  	s23 =	rddreg [dreg:$0x14];
	[sflag:s15] =	ssyncadd.s32 $0xFFFF6000  }
0x49: {  	[tilespmem:s14], [sflag:$0x2] =	stream.indirect.gather [hbm4b:s5+s11], $0x40, s23, s11, $0xb8;
	[tilespmem:$0x17200] =	vst v63  }
0x4a: {  	_ =	swait.ge [sflag:s13], $0xA000  }
0x4b: {  	s24 =	rddreg [dreg:$0x11];
	[sflag:s13] =	ssyncset.done $0x0  }
0x4c: {  	[sflag:s13] =	ssyncadd.s32 $0xFFFF6000;
	s18 =	sadd.s32 $0x0, s24  }
0x4d: {  	[hbm4b:s18+s2] =	stream.linear.scatter [tilespmem:s14], [sflag:$0x3], $0xA000, $0x38;
	[tilespmem:$0x17200] =	vst v63  }
0x4e: {  	_ =	swait.ge [sflag:s15], $0xA000  }
0x4f: {  	[sflag:s15] =	ssyncset.done $0x0  }
0x50: {  	s25 =	rddreg [dreg:$0x15];
	[sflag:s15] =	ssyncadd.s32 $0xFFFF6000  }
0x51: {  	[tilespmem:s12], [sflag:$0x2] =	stream.indirect.gather [hbm4b:s5+s11], $0x40, s25, s11, $0xb8;
	[tilespmem:$0x17200] =	vst v63  }
0x52: {  	_ =	swait.ge [sflag:s13], $0xA000  }
0x53: {  	[sflag:s13] =	ssyncset.done $0x0  }
0x54: {  	s26 =	sadd.s32 $0x5000, s17;
	[sflag:s13] =	ssyncadd.s32 $0xFFFF6000  }
0x55: {  	[hbm4b:s26+s2] =	stream.linear.scatter [tilespmem:s12], [sflag:$0x3], $0xA000, $0x38;
	[tilespmem:$0x17200] =	vst v63  }
0x56: {  	_ =	swait.ge [sflag:s15], $0xA000  }
0x57: {  	[sflag:s15] =	ssyncset.done $0x0  }
0x58: {  	s28 =	rddreg [dreg:$0x16];
	[sflag:s15] =	ssyncadd.s32 $0xFFFF6000  }
0x59: {  	[tilespmem:s14], [sflag:$0x2] =	stream.indirect.gather [hbm4b:s5+s11], $0x40, s28, s11, $0xb8;
	[tilespmem:$0x17200] =	vst v63  }
0x5a: {  	_ =	swait.ge [sflag:s13], $0xA000  }
0x5b: {  	s29 =	rddreg [dreg:$0x10];
	[sflag:s13] =	ssyncset.done $0x0  }
0x5c: {  	[sflag:s13] =	ssyncadd.s32 $0xFFFF6000;
	s18 =	sadd.s32 $0x0, s29  }
0x5d: {  	[hbm4b:s18+s2] =	stream.linear.scatter [tilespmem:s14], [sflag:$0x3], $0xA000, $0x38;
	[tilespmem:$0x17200] =	vst v63  }
0x5e: {  	_ =	swait.ge [sflag:s15], $0xA000  }
0x5f: {  	[sflag:s15] =	ssyncset.done $0x0  }
0x60: {  	s30 =	rddreg [dreg:$0x17];
	[sflag:s15] =	ssyncadd.s32 $0xFFFF6000  }
0x61: {  	[tilespmem:s12], [sflag:$0x2] =	stream.indirect.gather [hbm4b:s5+s11], $0x40, s30, s11, $0xb8;
	[tilespmem:$0x17200] =	vst v63  }
0x62: {  	_ =	swait.ge [sflag:s13], $0xA000  }
0x63: {  	[sflag:s13] =	ssyncset.done $0x0  }
0x64: {  	s31 =	sadd.s32 $0x7800, s17;
	[sflag:s13] =	ssyncadd.s32 $0xFFFF6000  }
0x65: {  	[hbm4b:s31+s2] =	stream.linear.scatter [tilespmem:s12], [sflag:$0x3], $0xA000, $0x38;
	[tilespmem:$0x17200] =	vst v63  }
0x66: {  	_ =	swait.ge [sflag:s15], $0xA000  }
0x67: {  	[sflag:s15] =	ssyncset.done $0x0  }
0x68: {  	s19 =	rddreg [dreg:$0x18];
	[sflag:s15] =	ssyncadd.s32 $0xFFFF6000  }
0x69: {  	[tilespmem:s14], [sflag:$0x2] =	stream.indirect.gather [hbm4b:s5+s11], $0x40, s19, s11, $0xb8;
	[tilespmem:$0x17200] =	vst v63  }
0x6a: {  	_ =	swait.ge [sflag:s13], $0xA000  }
0x6b: {  	s20 =	rddreg [dreg:$0xf];
	[sflag:s13] =	ssyncset.done $0x0  }
0x6c: {  	[sflag:s13] =	ssyncadd.s32 $0xFFFF6000;
	s18 =	sadd.s32 $0x0, s20  }
0x6d: {  	[hbm4b:s18+s2] =	stream.linear.scatter [tilespmem:s14], [sflag:$0x3], $0xA000, $0x38;
	[tilespmem:$0x17200] =	vst v63  }
0x6e: {  	_ =	swait.ge [sflag:s15], $0xA000  }
0x6f: {  	[sflag:s15] =	ssyncset.done $0x0  }
0x70: {  	s21 =	rddreg [dreg:$0x19];
	[sflag:s15] =	ssyncadd.s32 $0xFFFF6000  }
0x71: {  	[tilespmem:s12], [sflag:$0x2] =	stream.indirect.gather [hbm4b:s5+s11], $0x40, s21, s11, $0xb8;
	[tilespmem:$0x17200] =	vst v63  }
0x72: {  	_ =	swait.ge [sflag:s13], $0xA000  }
0x73: {  	s22 =	rddreg [dreg:$0xd];
	[sflag:s13] =	ssyncset.done $0x0  }
0x74: {  	[sflag:s13] =	ssyncadd.s32 $0xFFFF6000;
	s18 =	sadd.s32 $0x0, s22  }
0x75: {  	[hbm4b:s18+s2] =	stream.linear.scatter [tilespmem:s12], [sflag:$0x3], $0xA000, $0x38;
	[tilespmem:$0x17200] =	vst v63  }
0x76: {  	_ =	swait.ge [sflag:s15], $0xA000  }
0x77: {  	[sflag:s15] =	ssyncset.done $0x0  }
0x78: {  	s23 =	rddreg [dreg:$0x1a];
	[sflag:s15] =	ssyncadd.s32 $0xFFFF6000  }
0x79: {  	[tilespmem:s14], [sflag:$0x2] =	stream.indirect.gather [hbm4b:s5+s11], $0x40, s23, s11, $0xb8;
	[tilespmem:$0x17200] =	vst v63  }
0x7a: {  	_ =	swait.ge [sflag:s13], $0xA000  }
0x7b: {  	s24 =	rddreg [dreg:$0xe];
	[sflag:s13] =	ssyncset.done $0x0  }
0x7c: {  	[sflag:s13] =	ssyncadd.s32 $0xFFFF6000;
	s18 =	sadd.s32 $0x0, s24  }
0x7d: {  	[hbm4b:s18+s2] =	stream.linear.scatter [tilespmem:s14], [sflag:$0x3], $0xA000, $0x38;
	[tilespmem:$0x17200] =	vst v63  }
0x7e: {  	p0 =	por $0x0, $0x0;
	_ =	swait.ge [sflag:s15], $0xA000  }
0x7f: {  	s18 =	sshrl.u32 @!p0 s8, $0x3;
	[sflag:s15] =	ssyncset.done $0x0  }
0x80: {  	s19 =	simm.s32 @!p0 $0x0;
	s18 =	sadd.s32 @!p0 s3, s18;
	[sflag:s15] =	ssyncadd.s32 $0xFFFF6000  }
0x81: {  	[tilespmem:s19], [sflag:$0x1] =	stream.linear.gather @!p0 [hbm4b:s18+s19], $0x1900, $0x38;
	[tilespmem:$0x17200] =	vst v63  }
0x82: {  	_ =	swait.ge [sflag:s10], $0x1900  }
0x83: {  	[sflag:s10] =	ssyncset.done $0x0  }
0x84: {  	[sflag:s10] =	ssyncadd.s32 $0xFFFFE700  }
0x85: {  	[tilespmem:s12], [sflag:$0x2] =	stream.indirect.gather [hbm4b:s5+s11], $0x40, s9, s11, $0xb8;
	[tilespmem:$0x17200] =	vst v63  }
0x86: {  	_ =	swait.ge [sflag:s13], $0xA000  }
0x87: {  	s25 =	rddreg [dreg:$0x3];
	[sflag:s13] =	ssyncset.done $0x0  }
0x88: {  	[sflag:s13] =	ssyncadd.s32 $0xFFFF6000;
	s18 =	sadd.s32 $0x0, s25  }
0x89: {  	[hbm4b:s18+s2] =	stream.linear.scatter [tilespmem:s12], [sflag:$0x3], $0xA000, $0x38;
	[tilespmem:$0x17200] =	vst v63  }
0x8a: {  	_ =	swait.ge [sflag:s15], $0xA000  }
0x8b: {  	[sflag:s15] =	ssyncset.done $0x0  }
0x8c: {  	s26 =	rddreg [dreg:$0x1b];
	[sflag:s15] =	ssyncadd.s32 $0xFFFF6000  }
0x8d: {  	[tilespmem:s14], [sflag:$0x2] =	stream.indirect.gather [hbm4b:s5+s11], $0x40, s26, s11, $0xb8;
	[tilespmem:$0x17200] =	vst v63  }
0x8e: {  	_ =	swait.ge [sflag:s13], $0xA000  }
0x8f: {  	s28 =	rddreg [dreg:$0x6];
	[sflag:s13] =	ssyncset.done $0x0  }
0x90: {  	[sflag:s13] =	ssyncadd.s32 $0xFFFF6000;
	s18 =	sadd.s32 $0x0, s28  }
0x91: {  	[hbm4b:s18+s2] =	stream.linear.scatter [tilespmem:s14], [sflag:$0x3], $0xA000, $0x38;
	[tilespmem:$0x17200] =	vst v63  }
0x92: {  	_ =	swait.ge [sflag:s15], $0xA000  }
0x93: {  	[sflag:s15] =	ssyncset.done $0x0  }
0x94: {  	s29 =	rddreg [dreg:$0x1c];
	[sflag:s15] =	ssyncadd.s32 $0xFFFF6000  }
0x95: {  	[tilespmem:s12], [sflag:$0x2] =	stream.indirect.gather [hbm4b:s5+s11], $0x40, s29, s11, $0xb8;
	[tilespmem:$0x17200] =	vst v63  }
0x96: {  	_ =	swait.ge [sflag:s13], $0xA000  }
0x97: {  	s30 =	rddreg [dreg:$0x7];
	[sflag:s13] =	ssyncset.done $0x0  }
0x98: {  	[sflag:s13] =	ssyncadd.s32 $0xFFFF6000;
	s18 =	sadd.s32 $0x0, s30  }
0x99: {  	[hbm4b:s18+s2] =	stream.linear.scatter [tilespmem:s12], [sflag:$0x3], $0xA000, $0x38;
	[tilespmem:$0x17200] =	vst v63  }
0x9a: {  	_ =	swait.ge [sflag:s15], $0xA000  }
0x9b: {  	[sflag:s15] =	ssyncset.done $0x0  }
0x9c: {  	s31 =	rddreg [dreg:$0x1d];
	[sflag:s15] =	ssyncadd.s32 $0xFFFF6000  }
0x9d: {  	[tilespmem:s14], [sflag:$0x2] =	stream.indirect.gather [hbm4b:s5+s11], $0x40, s31, s11, $0xb8;
	[tilespmem:$0x17200] =	vst v63  }
0x9e: {  	_ =	swait.ge [sflag:s13], $0xA000  }
0x9f: {  	s19 =	rddreg [dreg:$0x8];
	[sflag:s13] =	ssyncset.done $0x0  }
0xa0: {  	[sflag:s13] =	ssyncadd.s32 $0xFFFF6000;
	s18 =	sadd.s32 $0x0, s19  }
0xa1: {  	[hbm4b:s18+s2] =	stream.linear.scatter [tilespmem:s14], [sflag:$0x3], $0xA000, $0x38;
	[tilespmem:$0x17200] =	vst v63  }
0xa2: {  	_ =	swait.ge [sflag:s15], $0xA000  }
0xa3: {  	[sflag:s15] =	ssyncset.done $0x0  }
0xa4: {  	s20 =	rddreg [dreg:$0x1e];
	[sflag:s15] =	ssyncadd.s32 $0xFFFF6000  }
0xa5: {  	[tilespmem:s12], [sflag:$0x2] =	stream.indirect.gather [hbm4b:s5+s11], $0x40, s20, s11, $0xb8;
	[tilespmem:$0x17200] =	vst v63  }
0xa6: {  	_ =	swait.ge [sflag:s13], $0xA000  }
0xa7: {  	s21 =	rddreg [dreg:$0x9];
	[sflag:s13] =	ssyncset.done $0x0  }
0xa8: {  	[sflag:s13] =	ssyncadd.s32 $0xFFFF6000;
	s18 =	sadd.s32 $0x0, s21  }
0xa9: {  	[hbm4b:s18+s2] =	stream.linear.scatter [tilespmem:s12], [sflag:$0x3], $0xA000, $0x38;
	[tilespmem:$0x17200] =	vst v63  }
0xaa: {  	_ =	swait.ge [sflag:s15], $0xA000  }
0xab: {  	[sflag:s15] =	ssyncset.done $0x0  }
0xac: {  	s22 =	rddreg [dreg:$0x1f];
	[sflag:s15] =	ssyncadd.s32 $0xFFFF6000  }
0xad: {  	[tilespmem:s14], [sflag:$0x2] =	stream.indirect.gather [hbm4b:s5+s11], $0x40, s22, s11, $0xb8;
	[tilespmem:$0x17200] =	vst v63  }
0xae: {  	_ =	swait.ge [sflag:s13], $0xA000  }
0xaf: {  	s23 =	rddreg [dreg:$0xa];
	[sflag:s13] =	ssyncset.done $0x0  }
0xb0: {  	[sflag:s13] =	ssyncadd.s32 $0xFFFF6000;
	s18 =	sadd.s32 $0x0, s23  }
0xb1: {  	[hbm4b:s18+s2] =	stream.linear.scatter [tilespmem:s14], [sflag:$0x3], $0xA000, $0x38;
	[tilespmem:$0x17200] =	vst v63  }
0xb2: {  	_ =	swait.ge [sflag:s15], $0xA000  }
0xb3: {  	s24 =	sld [smem:$0x7FA]  }
0xb4: {  	[sflag:s15] =	ssyncset.done $0x0  }
0xb5: {  	[sflag:s15] =	ssyncadd.s32 $0xFFFF6000  }
0xb6: {  	[tilespmem:s12], [sflag:$0x2] =	stream.indirect.gather [hbm4b:s5+s11], $0x40, s24, s11, $0xb8;
	[tilespmem:$0x17200] =	vst v63  }
0xb7: {  	_ =	swait.ge [sflag:s13], $0xA000  }
0xb8: {  	[sflag:s13] =	ssyncset.done $0x0  }
0xb9: {  	s17 =	sadd.s32 $0x14000, s17;
	[sflag:s13] =	ssyncadd.s32 $0xFFFF6000  }
0xba: {  	[hbm4b:s17+s2] =	stream.linear.scatter [tilespmem:s12], [sflag:$0x3], $0xA000, $0x38;
	[tilespmem:$0x17200] =	vst v63  }
0xbb: {  	_ =	swait.ge [sflag:s15], $0xA000  }
0xbc: {  	s25 =	sld [smem:$0x7FB]  }
0xbd: {  	[sflag:s15] =	ssyncset.done $0x0  }
0xbe: {  	[sflag:s15] =	ssyncadd.s32 $0xFFFF6000  }
0xbf: {  	[tilespmem:s14], [sflag:$0x2] =	stream.indirect.gather [hbm4b:s5+s11], $0x40, s25, s11, $0xb8;
	[tilespmem:$0x17200] =	vst v63  }
0xc0: {  	_ =	swait.ge [sflag:s13], $0xA000  }
0xc1: {  	s26 =	rddreg [dreg:$0xc];
	[sflag:s13] =	ssyncset.done $0x0  }
0xc2: {  	[sflag:s13] =	ssyncadd.s32 $0xFFFF6000;
	s17 =	sadd.s32 $0x0, s26  }
0xc3: {  	[hbm4b:s17+s2] =	stream.linear.scatter [tilespmem:s14], [sflag:$0x3], $0xA000, $0x38;
	[tilespmem:$0x17200] =	vst v63  }
0xc4: {  	_ =	swait.ge [sflag:s15], $0xA000  }
0xc5: {  	s28 =	sld [smem:$0x7FC]  }
0xc6: {  	[sflag:s15] =	ssyncset.done $0x0  }
0xc7: {  	[sflag:s15] =	ssyncadd.s32 $0xFFFF6000  }
0xc8: {  	[tilespmem:s12], [sflag:$0x2] =	stream.indirect.gather [hbm4b:s5+s11], $0x40, s28, s11, $0xb8;
	[tilespmem:$0x17200] =	vst v63  }
0xc9: {  	_ =	swait.ge [sflag:s13], $0xA000  }
0xca: {  	s29 =	rddreg [dreg:$0x4];
	[sflag:s13] =	ssyncset.done $0x0  }
0xcb: {  	[sflag:s13] =	ssyncadd.s32 $0xFFFF6000;
	s17 =	sadd.s32 $0x0, s29  }
0xcc: {  	[hbm4b:s17+s2] =	stream.linear.scatter [tilespmem:s12], [sflag:$0x3], $0xA000, $0x38;
	[tilespmem:$0x17200] =	vst v63  }
0xcd: {  	_ =	swait.ge [sflag:s15], $0xA000  }
0xce: {  	s30 =	sld [smem:$0x7FD]  }
0xcf: {  	[sflag:s15] =	ssyncset.done $0x0  }
0xd0: {  	[sflag:s15] =	ssyncadd.s32 $0xFFFF6000  }
0xd1: {  	[tilespmem:s14], [sflag:$0x2] =	stream.indirect.gather [hbm4b:s5+s11], $0x40, s30, s11, $0xb8;
	[tilespmem:$0x17200] =	vst v63  }
0xd2: {  	_ =	swait.ge [sflag:s13], $0xA000  }
0xd3: {  	s31 =	rddreg [dreg:$0x5];
	[sflag:s13] =	ssyncset.done $0x0  }
0xd4: {  	s19 =	smov.u32 s7;
	[sflag:s13] =	ssyncadd.s32 $0xFFFF6000;
	s17 =	sadd.s32 $0x0, s31  }
0xd5: {  	[hbm4b:s17+s2] =	stream.linear.scatter [tilespmem:s14], [sflag:$0x3], $0xA000, $0x38;
	[tilespmem:$0x17200] =	vst v63  }
0xd6: {  	s18 =	sadd.s32 $0x3200, s8;
	s17 =	simm.s32 $0x19000;
	_ =	swait.ge [sflag:s15], $0xA000  }
.LBB2_2:
0xd7: {  	[sflag:s15] =	ssyncset.done $0x0  }
0xd8: {  	s19 =	sadd.s32 $0x640, s19;
	[sflag:s15] =	ssyncadd.s32 $0xFFFF6000  }
0xd9: {  	[tilespmem:s9], [sflag:$0x1] =	stream.linear.gather [hbm4b:s19+s2], $0x1900, $0x38;
	[tilespmem:$0x17200] =	vst v63  }
0xda: {  	_ =	swait.ge [sflag:s10], $0x1900  }
0xdb: {  	[sflag:s10] =	ssyncset.done $0x0  }
0xdc: {  	[sflag:s10] =	ssyncadd.s32 $0xFFFFE700  }
0xdd: {  	[tilespmem:s12], [sflag:$0x2] =	stream.indirect.gather [hbm4b:s5+s11], $0x40, s2, s11, $0xb8;
	[tilespmem:$0x17200] =	vst v63  }
0xde: {  	s20 =	smov.u32 s17;
	_ =	swait.ge [sflag:s13], $0xA000  }
0xdf: {  	p1 =	seq.s32 s20, $0x0;
	s21 =	rddreg [dreg:$0xb];
	[sflag:s13] =	ssyncset.done $0x0  }
0xe0: {  	s22 =	simm.s32 @!p1 $0x3;
	[sflag:s13] =	ssyncadd.s32 $0xFFFF6000;
	s21 =	sadd.s32 s20, s21  }
0xe1: {  	[hbm4b:s21+s2] =	stream.linear.scatter [tilespmem:s12], [sflag:$0x3], $0xA000, $0x38;
	[tilespmem:$0x17200] =	vst v63  }
0xe2: {  	_ =	swait.ge @!p1 [sflag:s22], $0xA000  }
0xe3: {  	[sflag:s22] =	ssyncset.done @!p1 $0x0  }
0xe4: {  	[sflag:s22] =	ssyncadd.s32 @!p1 $0xFFFF6000  }
0xe5: {  	[tilespmem:s14], [sflag:$0x2] =	stream.indirect.gather [hbm4b:s5+s11], $0x40, s11, s11, $0xb8;
	[tilespmem:$0x17200] =	vst v63  }
0xe6: {  	_ =	swait.ge [sflag:s13], $0xA000  }
0xe7: {  	s29 =	rddreg [dreg:$0x12];
	[sflag:s13] =	ssyncset.done $0x0  }
0xe8: {  	[sflag:s13] =	ssyncadd.s32 $0xFFFF6000;
	s22 =	sadd.s32 s20, s29  }
0xe9: {  	[hbm4b:s22+s2] =	stream.linear.scatter [tilespmem:s14], [sflag:$0x3], $0xA000, $0x38;
	[tilespmem:$0x17200] =	vst v63  }
0xea: {  	_ =	swait.ge [sflag:s15], $0xA000  }
0xeb: {  	[sflag:s15] =	ssyncset.done $0x0  }
0xec: {  	s30 =	rddreg [dreg:$0x13];
	[sflag:s15] =	ssyncadd.s32 $0xFFFF6000  }
0xed: {  	[tilespmem:s12], [sflag:$0x2] =	stream.indirect.gather [hbm4b:s5+s11], $0x40, s30, s11, $0xb8;
	[tilespmem:$0x17200] =	vst v63  }
0xee: {  	_ =	swait.ge [sflag:s13], $0xA000  }
0xef: {  	[sflag:s13] =	ssyncset.done $0x0  }
0xf0: {  	s31 =	sadd.s32 $0x2800, s21;
	[sflag:s13] =	ssyncadd.s32 $0xFFFF6000  }
0xf1: {  	[hbm4b:s31+s2] =	stream.linear.scatter [tilespmem:s12], [sflag:$0x3], $0xA000, $0x38;
	[tilespmem:$0x17200] =	vst v63  }
0xf2: {  	_ =	swait.ge [sflag:s15], $0xA000  }
0xf3: {  	[sflag:s15] =	ssyncset.done $0x0  }
0xf4: {  	s23 =	rddreg [dreg:$0x14];
	[sflag:s15] =	ssyncadd.s32 $0xFFFF6000  }
0xf5: {  	[tilespmem:s14], [sflag:$0x2] =	stream.indirect.gather [hbm4b:s5+s11], $0x40, s23, s11, $0xb8;
	[tilespmem:$0x17200] =	vst v63  }
0xf6: {  	_ =	swait.ge [sflag:s13], $0xA000  }
0xf7: {  	s24 =	rddreg [dreg:$0x11];
	[sflag:s13] =	ssyncset.done $0x0  }
0xf8: {  	[sflag:s13] =	ssyncadd.s32 $0xFFFF6000;
	s22 =	sadd.s32 s20, s24  }
0xf9: {  	[hbm4b:s22+s2] =	stream.linear.scatter [tilespmem:s14], [sflag:$0x3], $0xA000, $0x38;
	[tilespmem:$0x17200] =	vst v63  }
0xfa: {  	_ =	swait.ge [sflag:s15], $0xA000  }
0xfb: {  	[sflag:s15] =	ssyncset.done $0x0  }
0xfc: {  	s25 =	rddreg [dreg:$0x15];
	[sflag:s15] =	ssyncadd.s32 $0xFFFF6000  }
0xfd: {  	[tilespmem:s12], [sflag:$0x2] =	stream.indirect.gather [hbm4b:s5+s11], $0x40, s25, s11, $0xb8;
	[tilespmem:$0x17200] =	vst v63  }
0xfe: {  	_ =	swait.ge [sflag:s13], $0xA000  }
0xff: {  	[sflag:s13] =	ssyncset.done $0x0  }
0x100: {  	s26 =	sadd.s32 $0x5000, s21;
	[sflag:s13] =	ssyncadd.s32 $0xFFFF6000  }
0x101: {  	[hbm4b:s26+s2] =	stream.linear.scatter [tilespmem:s12], [sflag:$0x3], $0xA000, $0x38;
	[tilespmem:$0x17200] =	vst v63  }
0x102: {  	_ =	swait.ge [sflag:s15], $0xA000  }
0x103: {  	[sflag:s15] =	ssyncset.done $0x0  }
0x104: {  	s28 =	rddreg [dreg:$0x16];
	[sflag:s15] =	ssyncadd.s32 $0xFFFF6000  }
0x105: {  	[tilespmem:s14], [sflag:$0x2] =	stream.indirect.gather [hbm4b:s5+s11], $0x40, s28, s11, $0xb8;
	[tilespmem:$0x17200] =	vst v63  }
0x106: {  	_ =	swait.ge [sflag:s13], $0xA000  }
0x107: {  	s29 =	rddreg [dreg:$0x10];
	[sflag:s13] =	ssyncset.done $0x0  }
0x108: {  	[sflag:s13] =	ssyncadd.s32 $0xFFFF6000;
	s22 =	sadd.s32 s20, s29  }
0x109: {  	[hbm4b:s22+s2] =	stream.linear.scatter [tilespmem:s14], [sflag:$0x3], $0xA000, $0x38;
	[tilespmem:$0x17200] =	vst v63  }
0x10a: {  	_ =	swait.ge [sflag:s15], $0xA000  }
0x10b: {  	[sflag:s15] =	ssyncset.done $0x0  }
0x10c: {  	s30 =	rddreg [dreg:$0x17];
	[sflag:s15] =	ssyncadd.s32 $0xFFFF6000  }
0x10d: {  	[tilespmem:s12], [sflag:$0x2] =	stream.indirect.gather [hbm4b:s5+s11], $0x40, s30, s11, $0xb8;
	[tilespmem:$0x17200] =	vst v63  }
0x10e: {  	_ =	swait.ge [sflag:s13], $0xA000  }
0x10f: {  	[sflag:s13] =	ssyncset.done $0x0  }
0x110: {  	s31 =	sadd.s32 $0x7800, s21;
	[sflag:s13] =	ssyncadd.s32 $0xFFFF6000  }
0x111: {  	[hbm4b:s31+s2] =	stream.linear.scatter [tilespmem:s12], [sflag:$0x3], $0xA000, $0x38;
	[tilespmem:$0x17200] =	vst v63  }
0x112: {  	_ =	swait.ge [sflag:s15], $0xA000  }
0x113: {  	[sflag:s15] =	ssyncset.done $0x0  }
0x114: {  	s23 =	rddreg [dreg:$0x18];
	[sflag:s15] =	ssyncadd.s32 $0xFFFF6000  }
0x115: {  	[tilespmem:s14], [sflag:$0x2] =	stream.indirect.gather [hbm4b:s5+s11], $0x40, s23, s11, $0xb8;
	[tilespmem:$0x17200] =	vst v63  }
0x116: {  	_ =	swait.ge [sflag:s13], $0xA000  }
0x117: {  	s24 =	rddreg [dreg:$0xf];
	[sflag:s13] =	ssyncset.done $0x0  }
0x118: {  	[sflag:s13] =	ssyncadd.s32 $0xFFFF6000;
	s22 =	sadd.s32 s20, s24  }
0x119: {  	[hbm4b:s22+s2] =	stream.linear.scatter [tilespmem:s14], [sflag:$0x3], $0xA000, $0x38;
	[tilespmem:$0x17200] =	vst v63  }
0x11a: {  	_ =	swait.ge [sflag:s15], $0xA000  }
0x11b: {  	[sflag:s15] =	ssyncset.done $0x0  }
0x11c: {  	s25 =	rddreg [dreg:$0x19];
	[sflag:s15] =	ssyncadd.s32 $0xFFFF6000  }
0x11d: {  	[tilespmem:s12], [sflag:$0x2] =	stream.indirect.gather [hbm4b:s5+s11], $0x40, s25, s11, $0xb8;
	[tilespmem:$0x17200] =	vst v63  }
0x11e: {  	_ =	swait.ge [sflag:s13], $0xA000  }
0x11f: {  	s26 =	rddreg [dreg:$0xd];
	[sflag:s13] =	ssyncset.done $0x0  }
0x120: {  	[sflag:s13] =	ssyncadd.s32 $0xFFFF6000;
	s22 =	sadd.s32 s20, s26  }
0x121: {  	[hbm4b:s22+s2] =	stream.linear.scatter [tilespmem:s12], [sflag:$0x3], $0xA000, $0x38;
	[tilespmem:$0x17200] =	vst v63  }
0x122: {  	_ =	swait.ge [sflag:s15], $0xA000  }
0x123: {  	[sflag:s15] =	ssyncset.done $0x0  }
0x124: {  	s28 =	rddreg [dreg:$0x1a];
	[sflag:s15] =	ssyncadd.s32 $0xFFFF6000  }
0x125: {  	[tilespmem:s14], [sflag:$0x2] =	stream.indirect.gather [hbm4b:s5+s11], $0x40, s28, s11, $0xb8;
	[tilespmem:$0x17200] =	vst v63  }
0x126: {  	_ =	swait.ge [sflag:s13], $0xA000  }
0x127: {  	s29 =	rddreg [dreg:$0xe];
	[sflag:s13] =	ssyncset.done $0x0  }
0x128: {  	[sflag:s13] =	ssyncadd.s32 $0xFFFF6000;
	s22 =	sadd.s32 s20, s29  }
0x129: {  	[hbm4b:s22+s2] =	stream.linear.scatter [tilespmem:s14], [sflag:$0x3], $0xA000, $0x38;
	[tilespmem:$0x17200] =	vst v63  }
0x12a: {  	p1 =	seq.s32 s20, $0xAF000;
	_ =	swait.ge [sflag:s15], $0xA000  }
0x12b: {  	s22 =	sshrl.u32 @!p1 s18, $0x3;
	[sflag:s15] =	ssyncset.done $0x0  }
0x12c: {  	s23 =	simm.s32 @!p1 $0x0;
	s22 =	sadd.s32 @!p1 s3, s22;
	[sflag:s15] =	ssyncadd.s32 $0xFFFF6000  }
0x12d: {  	[tilespmem:s23], [sflag:$0x1] =	stream.linear.gather @!p1 [hbm4b:s22+s23], $0x1900, $0x38;
	[tilespmem:$0x17200] =	vst v63  }
0x12e: {  	_ =	swait.ge [sflag:s10], $0x1900  }
0x12f: {  	[sflag:s10] =	ssyncset.done $0x0  }
0x130: {  	[sflag:s10] =	ssyncadd.s32 $0xFFFFE700  }
0x131: {  	[tilespmem:s12], [sflag:$0x2] =	stream.indirect.gather [hbm4b:s5+s11], $0x40, s9, s11, $0xb8;
	[tilespmem:$0x17200] =	vst v63  }
0x132: {  	_ =	swait.ge [sflag:s13], $0xA000  }
0x133: {  	s30 =	rddreg [dreg:$0x3];
	[sflag:s13] =	ssyncset.done $0x0  }
0x134: {  	[sflag:s13] =	ssyncadd.s32 $0xFFFF6000;
	s22 =	sadd.s32 s20, s30  }
0x135: {  	[hbm4b:s22+s2] =	stream.linear.scatter [tilespmem:s12], [sflag:$0x3], $0xA000, $0x38;
	[tilespmem:$0x17200] =	vst v63  }
0x136: {  	_ =	swait.ge [sflag:s15], $0xA000  }
0x137: {  	[sflag:s15] =	ssyncset.done $0x0  }
0x138: {  	s31 =	rddreg [dreg:$0x1b];
	[sflag:s15] =	ssyncadd.s32 $0xFFFF6000  }
0x139: {  	[tilespmem:s14], [sflag:$0x2] =	stream.indirect.gather [hbm4b:s5+s11], $0x40, s31, s11, $0xb8;
	[tilespmem:$0x17200] =	vst v63  }
0x13a: {  	_ =	swait.ge [sflag:s13], $0xA000  }
0x13b: {  	s23 =	rddreg [dreg:$0x6];
	[sflag:s13] =	ssyncset.done $0x0  }
0x13c: {  	[sflag:s13] =	ssyncadd.s32 $0xFFFF6000;
	s22 =	sadd.s32 s20, s23  }
0x13d: {  	[hbm4b:s22+s2] =	stream.linear.scatter [tilespmem:s14], [sflag:$0x3], $0xA000, $0x38;
	[tilespmem:$0x17200] =	vst v63  }
0x13e: {  	_ =	swait.ge [sflag:s15], $0xA000  }
0x13f: {  	[sflag:s15] =	ssyncset.done $0x0  }
0x140: {  	s24 =	rddreg [dreg:$0x1c];
	[sflag:s15] =	ssyncadd.s32 $0xFFFF6000  }
0x141: {  	[tilespmem:s12], [sflag:$0x2] =	stream.indirect.gather [hbm4b:s5+s11], $0x40, s24, s11, $0xb8;
	[tilespmem:$0x17200] =	vst v63  }
0x142: {  	_ =	swait.ge [sflag:s13], $0xA000  }
0x143: {  	s25 =	rddreg [dreg:$0x7];
	[sflag:s13] =	ssyncset.done $0x0  }
0x144: {  	[sflag:s13] =	ssyncadd.s32 $0xFFFF6000;
	s22 =	sadd.s32 s20, s25  }
0x145: {  	[hbm4b:s22+s2] =	stream.linear.scatter [tilespmem:s12], [sflag:$0x3], $0xA000, $0x38;
	[tilespmem:$0x17200] =	vst v63  }
0x146: {  	_ =	swait.ge [sflag:s15], $0xA000  }
0x147: {  	[sflag:s15] =	ssyncset.done $0x0  }
0x148: {  	s26 =	rddreg [dreg:$0x1d];
	[sflag:s15] =	ssyncadd.s32 $0xFFFF6000  }
0x149: {  	[tilespmem:s14], [sflag:$0x2] =	stream.indirect.gather [hbm4b:s5+s11], $0x40, s26, s11, $0xb8;
	[tilespmem:$0x17200] =	vst v63  }
0x14a: {  	_ =	swait.ge [sflag:s13], $0xA000  }
0x14b: {  	s28 =	rddreg [dreg:$0x8];
	[sflag:s13] =	ssyncset.done $0x0  }
0x14c: {  	[sflag:s13] =	ssyncadd.s32 $0xFFFF6000;
	s22 =	sadd.s32 s20, s28  }
0x14d: {  	[hbm4b:s22+s2] =	stream.linear.scatter [tilespmem:s14], [sflag:$0x3], $0xA000, $0x38;
	[tilespmem:$0x17200] =	vst v63  }
0x14e: {  	_ =	swait.ge [sflag:s15], $0xA000  }
0x14f: {  	[sflag:s15] =	ssyncset.done $0x0  }
0x150: {  	s29 =	rddreg [dreg:$0x1e];
	[sflag:s15] =	ssyncadd.s32 $0xFFFF6000  }
0x151: {  	[tilespmem:s12], [sflag:$0x2] =	stream.indirect.gather [hbm4b:s5+s11], $0x40, s29, s11, $0xb8;
	[tilespmem:$0x17200] =	vst v63  }
0x152: {  	_ =	swait.ge [sflag:s13], $0xA000  }
0x153: {  	s30 =	rddreg [dreg:$0x9];
	[sflag:s13] =	ssyncset.done $0x0  }
0x154: {  	[sflag:s13] =	ssyncadd.s32 $0xFFFF6000;
	s22 =	sadd.s32 s20, s30  }
0x155: {  	[hbm4b:s22+s2] =	stream.linear.scatter [tilespmem:s12], [sflag:$0x3], $0xA000, $0x38;
	[tilespmem:$0x17200] =	vst v63  }
0x156: {  	_ =	swait.ge [sflag:s15], $0xA000  }
0x157: {  	[sflag:s15] =	ssyncset.done $0x0  }
0x158: {  	s31 =	rddreg [dreg:$0x1f];
	[sflag:s15] =	ssyncadd.s32 $0xFFFF6000  }
0x159: {  	[tilespmem:s14], [sflag:$0x2] =	stream.indirect.gather [hbm4b:s5+s11], $0x40, s31, s11, $0xb8;
	[tilespmem:$0x17200] =	vst v63  }
0x15a: {  	_ =	swait.ge [sflag:s13], $0xA000  }
0x15b: {  	s23 =	rddreg [dreg:$0xa];
	[sflag:s13] =	ssyncset.done $0x0  }
0x15c: {  	[sflag:s13] =	ssyncadd.s32 $0xFFFF6000;
	s22 =	sadd.s32 s20, s23  }
0x15d: {  	[hbm4b:s22+s2] =	stream.linear.scatter [tilespmem:s14], [sflag:$0x3], $0xA000, $0x38;
	[tilespmem:$0x17200] =	vst v63  }
0x15e: {  	_ =	swait.ge [sflag:s15], $0xA000  }
0x15f: {  	s24 =	sld [smem:$0x7FA]  }
0x160: {  	[sflag:s15] =	ssyncset.done $0x0  }
0x161: {  	[sflag:s15] =	ssyncadd.s32 $0xFFFF6000  }
0x162: {  	[tilespmem:s12], [sflag:$0x2] =	stream.indirect.gather [hbm4b:s5+s11], $0x40, s24, s11, $0xb8;
	[tilespmem:$0x17200] =	vst v63  }
0x163: {  	_ =	swait.ge [sflag:s13], $0xA000  }
0x164: {  	[sflag:s13] =	ssyncset.done $0x0  }
0x165: {  	s21 =	sadd.s32 $0x14000, s21;
	[sflag:s13] =	ssyncadd.s32 $0xFFFF6000  }
0x166: {  	[hbm4b:s21+s2] =	stream.linear.scatter [tilespmem:s12], [sflag:$0x3], $0xA000, $0x38;
	[tilespmem:$0x17200] =	vst v63  }
0x167: {  	_ =	swait.ge [sflag:s15], $0xA000  }
0x168: {  	s25 =	sld [smem:$0x7FB]  }
0x169: {  	[sflag:s15] =	ssyncset.done $0x0  }
0x16a: {  	[sflag:s15] =	ssyncadd.s32 $0xFFFF6000  }
0x16b: {  	[tilespmem:s14], [sflag:$0x2] =	stream.indirect.gather [hbm4b:s5+s11], $0x40, s25, s11, $0xb8;
	[tilespmem:$0x17200] =	vst v63  }
0x16c: {  	_ =	swait.ge [sflag:s13], $0xA000  }
0x16d: {  	s26 =	rddreg [dreg:$0xc];
	[sflag:s13] =	ssyncset.done $0x0  }
0x16e: {  	[sflag:s13] =	ssyncadd.s32 $0xFFFF6000;
	s21 =	sadd.s32 s20, s26  }
0x16f: {  	[hbm4b:s21+s2] =	stream.linear.scatter [tilespmem:s14], [sflag:$0x3], $0xA000, $0x38;
	[tilespmem:$0x17200] =	vst v63  }
0x170: {  	_ =	swait.ge [sflag:s15], $0xA000  }
0x171: {  	s28 =	sld [smem:$0x7FC]  }
0x172: {  	[sflag:s15] =	ssyncset.done $0x0  }
0x173: {  	[sflag:s15] =	ssyncadd.s32 $0xFFFF6000  }
0x174: {  	[tilespmem:s12], [sflag:$0x2] =	stream.indirect.gather [hbm4b:s5+s11], $0x40, s28, s11, $0xb8;
	[tilespmem:$0x17200] =	vst v63  }
0x175: {  	_ =	swait.ge [sflag:s13], $0xA000  }
0x176: {  	s29 =	rddreg [dreg:$0x4];
	[sflag:s13] =	ssyncset.done $0x0  }
0x177: {  	[sflag:s13] =	ssyncadd.s32 $0xFFFF6000;
	s21 =	sadd.s32 s20, s29  }
0x178: {  	[hbm4b:s21+s2] =	stream.linear.scatter [tilespmem:s12], [sflag:$0x3], $0xA000, $0x38;
	[tilespmem:$0x17200] =	vst v63  }
0x179: {  	_ =	swait.ge [sflag:s15], $0xA000  }
0x17a: {  	s30 =	sld [smem:$0x7FD]  }
0x17b: {  	s17 =	sadd.s32 $0x19000, s17;
	[sflag:s15] =	ssyncset.done $0x0  }
0x17c: {  	p0 =	sne.s32 s17, $0xC8000;
	[sflag:s15] =	ssyncadd.s32 $0xFFFF6000  }
0x17d: {  	[tilespmem:s14], [sflag:$0x2] =	stream.indirect.gather [hbm4b:s5+s11], $0x40, s30, s11, $0xb8;
	[tilespmem:$0x17200] =	vst v63  }
.Ltmp0:
0x17e: {  	_ =	swait.ge [sflag:s13], $0xA000;
	(pc) =	sbr.rel @p0 .LBB2_2-.Ltmp0, $4  }
0x17f: {  	s31 =	rddreg [dreg:$0x5];
	[sflag:s13] =	ssyncset.done $0x0  }
0x180: {  	[sflag:s13] =	ssyncadd.s32 $0xFFFF6000;
	s20 =	sadd.s32 s20, s31  }
0x181: {  	[hbm4b:s20+s2] =	stream.linear.scatter [tilespmem:s14], [sflag:$0x3], $0xA000, $0x38;
	[tilespmem:$0x17200] =	vst v63  }
0x182: {  	s18 =	sadd.s32 $0x3200, s18;
	_ =	swait.ge [sflag:s15], $0xA000  }
0x183: {  	s16 =	sadd.s32 $0x1, s16  }
0x184: {  	p0 =	sne.s32 s16, s6  }
.Ltmp1:
0x185: {  	[sflag:s15] =	ssyncset.done $0x0;
	(pc) =	sbr.rel @p0 .LBB2_1-.Ltmp1, $4  }
0x186: {  	[sflag:s15] =	ssyncadd.s32 $0xFFFF6000  }
0x187: {  	_ =	swait.ge [sflag:s15], $0xA000  }
0x188: {  	[sflag:s15] =	ssyncset.done $0x0  }
0x189: {  	[sflag:s15] =	ssyncadd.s32 $0xFFFF6000  }
0x18a: {  	_ =	sfence.sel $0x180000  }
0x18b: {  	[bflag:$0x0] =	sbarrier.arrive $0xFFFF  }
0x18c: {  	p0 =	sne.s32 s0, $0x0;
	_ =	strace $0x90000047  }
0x18d: {  	s0 =	sadd.s32 @!p0 $0x100000, s1;
	[bflag:$0x2] =	sbarrier.arrive $0xFFFF  }
0x18e: {  	[sflag:s0] =	ssyncadd.tile.s32 @!p0 $0x1;
	_ =	shalt  }
.Lfunc_end2:
_tile_overlayer_lowered:
.L_overlay_start_2:
0x18f: {  	(tag) =	ssettag $0x2  }
0x190: {  	s0 =	rddreg [dreg:$0x0];
	s2 =	stileid.u32  }
0x191: {  	s1 =	rddreg [dreg:$0x1];
	p0 =	sne.s32 s2, $0x0  }
0x192: {  	s3 =	rddreg [dreg:$0x2];
	[bflag:$0x3] =	sbarrier.arrive $0xFFFF;
	s2 =	simm.s32 @!p0 $0x1C04  }
0x193: {  	[timem:s3], [sflag:s2] =	dma.local @!p0 [hbm:s0], s1  }
0x194: {  	s0 =	simm.s32 @!p0 $0x4  }
0x195: {  	_ =	swait.ge @!p0 [sflag:s0], s1  }
0x196: {  	s1 =	ssub.s32 @!p0 $0x0, s1;
	[sflag:s0] =	ssyncset.done @!p0 $0x0  }
0x197: {  	[sflag:s0] =	ssyncadd.s32 @!p0 s1  }
0x198: {  	[bflag:$0x3] =	sbarrier.arrive $0xFFFF  }
0x199: {  	_ =	shalt  }

// kernel: sparse-core-data-format-call.cloned.1.call-start
scs
called_computation_lowered:
.L_overlay_start_0:
0x0: {  	s2 =	sld [smem:$0x3FD9]  }
0x1: {  	s3 =	sld [smem:$0x3FFE];
	_ =	sdelay $0x1  }
0x2: {  	s1 =	srdreg.scid  }
0x3: {  	s0 =	sand.u32 $0x1, s1  }
0x4: {  	s18 =	sshll.u32 s0, $0xA;
	s2 =	sadd.s32 s3, s2  }
0x5: {  	s2 =	sadd.s32 s2, s18  }
0x6: {  	[smem:$0x3FC6] =	sst s2  }
0x7: {  	_ = 	snop  }
0x8: {  	s2 =	sld [smem:$0x3FD0];
	(tm) =	ssettm $0x1  }
0x9: {  	s19 =	sld [smem:$0x3FFB];
	_ =	sdelay $0x3  }
0xa: {  	_ =	strace s19  }
0xb: {  	s3 =	sld [smem:$0x3FFC];
	_ =	sdelay $0x3  }
0xc: {  	_ =	strace s3  }
0xd: {  	s3 =	sld [smem:$0x3FFD];
	_ =	sdelay $0x3  }
0xe: {  	_ =	strace s3  }
0xf: {  	_ =	strace $0x8FFFFFFF  }
0x10: {  	s20 =	sld [smem:$0x3FDB];
	_ =	sdelay $0x1  }
0x11: {  	s4 =	simm.s32 $_scs_section_size  }
0x12: {  	s5 =	simm.s32 $_size__tile_overlayer_lowered;
	s6 =	simm.s32 $_tile_overlayer_lowered  }
0x13: {  	s23 =	simm.s32 $0x1BFF;
	s22 =	sshll.u32 s6, $0x1;
	s3 =	sadd.s32 s4, s20  }
0x14: {  	s7 =	simm.s32 $0x0;
	s21 =	sshll.u32 s5, $0x1;
	s5 =	sadd.s32 s22, s3  }
0x15: {  	[timem:s7], [sflag:s23] =	dma.local [hbm:s5], s21  }
0x16: {  	_ =	swait.ge [sflag:s23], s21  }
0x17: {  	s4 =	ssub.s32 $0x0, s21;
	[sflag:s23] =	ssyncset.done $0x0  }
0x18: {  	[sflag:s23] =	ssyncadd.s32 s4;
	_ =	sdelay $0x1  }
0x19: {  	s24 =	simm.s32 $0x1B8B  }
0x1a: {  	_ =	swait.ge [sflag:s24], $0x1  }
0x1b: {  	[sflag:s24] =	ssyncset.done $0x0  }
0x1c: {  	s26 =	simm.s32 $0x1B8E;
	s25 =	sld [smem:$0x3FFE];
	[sflag:s24] =	ssyncadd.s32 $0xFFFFFFFF  }
0x1d: {  	s27 =	simm.s32 $execute0_lowered;
	[smem:$0x3FD2] =	sst s26  }
0x1e: {  	s5 =	sshll.u32 s27, $0x1;
	_ =	strace $0x80000049;
	[dreg:$0x1] =	wrdreg $0xFFFFFFFF  }
0x1f: {  	s28 =	simm.s32 $_size_execute0_lowered;
	s3 =	sadd.s32 s3, s5;
	[dreg:$0x0] =	wrdreg $0x0  }
0x20: {  	s5 =	sshll.u32 s28, $0x1;
	[dreg:$0x2] =	wrdreg s3  }
0x21: {  	[dreg:$0x3] =	wrdreg s5  }
0x22: {  	[dreg:$0x4] =	wrdreg $0xC0  }
0x23: {  	_ =	task [dreg:s7], $0x5FFFF  }
0x24: {  	[dreg:$0x1] =	wrdreg $0xFFFFFFFF  }
0x25: {  	[dreg:$0x0] =	wrdreg $0x60  }
0x26: {  	[dreg:$0x2] =	wrdreg s25  }
0x27: {  	[dreg:$0x3] =	wrdreg s2  }
0x28: {  	[dreg:$0x4] =	wrdreg $0x9  }
0x29: {  	_ =	task.clear_ibuf [dreg:s7], $0x5FFFF;
	_ =	strace $0x90000049  }
0x2a: {  	s29 =	simm.s32 $0x9;
	_ =	strace $0x8000004B  }
0x2b: {  	_ =	swait.ge [sflag:s29], $0x1  }
0x2c: {  	[sflag:s29] =	ssyncadd.s32 $0xFFFFFFFF  }
0x2d: {  	_ =	strace $0x9000004B  }
0x2e: {  	_ =	sfence  }
0x2f: {  	s30 =	sld [smem:$0x0];
	_ =	sdelay $0x2  }
0x30: {  	s31 =	sshll.u32 s1, $0xD;
	s1 =	sshrl.u32 s1, $0x2  }
0x31: {  	s3 =	sand.u32 $0x4000, s31;
	s1 =	sadd.s32 s1, s30  }
0x32: {  	s0 =	sor.u32 s3, s0;
	s1 =	sshll.u32 s1, $0x11  }
0x33: {  	s0 =	sor.u32 s1, s0  }
0x34: {  	s0 =	sadd.s32 $0x8F2B, s0  }
0x35: {  	[sflag:s0] =	ssyncadd.remote.s32 $0x1  }
0x36: {  	_ =	sfence.sel $0xFFFF  }
0x37: {  	[dreg:$0x0] =	wrdreg $0xFFFFFFFF;
	(pc) =	sbr.abs _section_cstart, $3  }
0x38: {  	[dreg:$0x1] =	wrdreg $0xFFFFFFFF  }
0x39: {  	_ =	task.clear_ibuf [dreg:s7], $0x2FFFF;
	_ =	strace $0x9FFFFFFF  }
0x3a: {  	(tm) =	ssettm $0x7FFFFFFF  }
0x3b: {  	_ =	shalt  }
tec
execute0_lowered:
.L_overlay_start_1:
0x0: {  	(tag) =	ssettag $0x1  }
0x1: {  	s0 =	srdreg.scid  }
0x2: {  	s1 =	sshll.u32 s0, $0x4  }
0x3: {  	s0 =	stileid.u32;
	s1 =	sand.u32 $0x10, s1  }
0x4: {  	s1 =	sor.u32 s0, s1  }
0x5: {  	s6 =	rddreg [dreg:$0x0];
	s4 =	simm.s32 $0x1;
	s2 =	sshll.u32 s1, $0x7  }
0x6: {  	s7 =	simm.s32 $0x2;
	s12 =	simm.s32 $0x0;
	s1 =	ssub.s32 $0x4000, s2  }
0x7: {  	s8 =	simm.s32 $0x20000;
	s13 =	simm.s32 $0x0;
	s3 =	sand.u32 $0xF80, s1  }
0x8: {  	s9 =	simm.s32 $0x0;
	s5 =	sshrl.u32 s1, $0xC;
	p0 =	sne.s32 s3, $0x0  }
.Ltmp0:
0x9: {  	s1 =	rddreg [dreg:$0x2];
	s4 =	simm.s32 @!p0 $0x0;
	(pc) =	sbr.rel .LBB1_1-.Ltmp0, $4  }
0xa: {  	s11 =	simm.s32 $0x0;
	s3 =	rddreg [dreg:$0x1];
	s5 =	sadd.s32 s4, s5  }
0xb: {  	_ =	strace $0x8000004A;
	s4 =	simm.s32 $0x1;
	s5 =	smul.u32 $0xC8, s5  }
0xc: {  	s6 =	sadd.s32 $0x800, s6;
	s10 =	smov.u32 s2;
	[sflag:s4] =	ssyncpa.u1 $0x0  }
0xd: {  	p0 =	por $0x0, $0x0;
	[sflag:s7] =	ssyncpa.u1 $0x0;
	s7 =	sor.u32 $0x1, s5  }
.LBB1_4:
0xe: {  	s16 =	sshll.u32 s13, $0x3;
	s17 =	sand.u32 $0x78, s13  }
0xf: {  	s30 =	sand.u32 $0x1F800, s13;
	s12 =	sshll.u32 s12, $0x11;
	s16 =	sand.u32 $0x3C00, s16  }
0x10: {  	[tilespmem:s15+$0x810 ss:$0x81] =	vst.msk $0xffff, v2;
	s31 =	sand.u32 $0x7, s13;
	s16 =	sor.u32 s17, s16;
	s17 =	sadd.s32 s3, s30  }
0x11: {  	[tilespmem:s15+$0x1020 ss:$0x81] =	vst.msk $0xffff, v0;
	s13 =	sshll.u32 s31, $0x12;
	s12 =	sadd.s32 s12, s17;
	s16 =	sshrl.u32 s16, $0x3  }
0x12: {  	[tilespmem:s15+$0x0 ss:$0x81] =	vst.msk $0xffff, v1;
	s13 =	sor.u32 $0x400, s13;
	s12 =	sadd.s32 s16, s12  }
0x13: {  	[hbm4b:s12+s13] =	stream.strided.scatter [tilespmem:s14], [sflag:$0x2], $0x2000, s8, s13, $0x20;
	[tilespmem:$0x8080] =	vst v63  }
.LBB1_5:
0x14: {  	s14 =	sadd.s32 $0x1, s9  }
0x15: {  	s12 =	sadd.s32 $0x1000, s10;
	s16 =	smov.u32 s10;
	p2 =	sgt.s32 s14, $0xC7  }
0x16: {  	s16 =	smov.u32 @p2 s12  }
0x17: {  	s14 =	simm.s32 @p2 $0x0;
	p2 =	sgt.s32 s16, $0x3FFF  }
0x18: {  	s16 =	smov.u32 @p2 s2;
	p2 =	sne.s32 s11, s7  }
.Ltmp1:
0x19: {  	p1 =	slt.u32 s11, $0x2;
	(pc) =	sbr.rel @!p2 .LBB1_6-.Ltmp1, $4  }
0x1a: {  	s15 =	simm.s32 @!p1 $0x2  }
0x1b: {  	s13 =	smov.u32 s10;
	p0 =	por !p0, !p0;
	_ =	swait.ge @!p1 [sflag:s15], $0x2000  }
0x1c: {  	s12 =	smov.u32 s9;
	[sflag:s15] =	ssyncset.done @!p1 $0x0;
	s9 =	smov.u32 s14  }
0x1d: {  	s11 =	sadd.s32 $0x1, s11;
	[sflag:s15] =	ssyncadd.s32 @!p1 $0xFFFFE000;
	s10 =	smov.u32 s16  }
.LBB1_1:
0x1e: {  	p1 =	sge.u32 s11, s5  }
0x1f: {  	s14 =	sand.u32 @!p1 $0x1FFFFFF, s9  }
0x20: {  	s15 =	smulhi.u32 @!p1 $0x147AE15, s14;
	_ =	sdelay $0x1  }
0x21: {  	s15 =	smul.u32 @!p1 $0xC8, s15  }
0x22: {  	s16 =	sxor.u32 @!p1 $0xFFFFFFFF, s11;
	s17 =	smul.u32 @!p1 $0xC80, s10  }
0x23: {  	s31 =	sadd.s32 $0xFFFFFFFF, s11;
	s16 =	sshll.u32 @!p1 s16, $0xD;
	s14 =	ssub.s32 @!p1 s14, s15  }
0x24: {  	s15 =	sand.u32 @!p1 $0x2000, s16;
	s16 =	sadd.s32 @!p1 s6, s17;
	s14 =	sshll.u32 @!p1 s14, $0x4  }
0x25: {  	s17 =	simm.s32 @!p1 $0x6400;
	s14 =	sadd.s32 @!p1 s14, s16;
	s16 =	simm.s32 @!p1 $0x40  }
0x26: {  	[tilespmem:s15], [sflag:$0x1] =	stream.strided.gather @!p1 [hbm4b:s14+s16], $0x2000, s17, s16, $0x38;
	[tilespmem:$0x8080] =	vst v63  }
0x27: {  	p1 =	sge.u32 s31, s5  }
.Ltmp2:
0x28: {  	_ = 	snop;
	(pc) =	sbr.rel @p1 .LBB1_5-.Ltmp2, $1  }
0x29: {  	_ =	sdelay $0x3  }
0x2a: {  	s14 =	simm.s32 $0x1  }
0x2b: {  	_ =	swait.ge [sflag:s4], $0x2000;
	s14 =	simm.s32 @!p0 $0x0  }
0x2c: {  	[sflag:s4] =	ssyncset.done $0x0;
	s15 =	sshll.u32 s14, $0xD  }
0x2d: {  	[sflag:s4] =	ssyncadd.s32 $0xFFFFE000;
	s18 =	sor.u32 $0x20, s15  }
0x2e: {  	s14 =	smul.u32 $0x8100, s14;
	v3 =	vld [tilespmem:s18+$0x10]  }
0x2f: {  	s30 =	sand.u32 $0x1, s11;
	v2 =	vld [tilespmem:s18+$0xFFFFFFF0]  }
0x30: {  	s15 =	smul.u32 $0x8100, s30;
	s14 =	sshrl.u32 s14, $0x2;
	v0 =	vld [tilespmem:s18+$0x0]  }
0x31: {  	v1 =	vld [tilespmem:s18+$0xFFFFFFE0];
	s16 =	sor.u32 $0x4000, s14  }
0x32: {  	s31 =	sshrl.u32 s15, $0x2;
	s15 =	sadd.s32 $0x0, s16  }
0x33: {  	s17 =	simm.s32 $0x4;
	s18 =	sadd.s32 $0x40, s18;
	s14 =	sor.u32 $0x4000, s31;
	[tilespmem:s15+$0x1830 ss:$0x81] =	vst.msk $0xffff, v3  }
.LBB1_3:
0x34: {  	v3 =	vld [tilespmem:s18+$0x10];
	p1 =	sne.s32 s17, $0x1FC;
	[tilespmem:s15+$0x810 ss:$0x81] =	vst.msk $0xffff, v2;
	s19 =	smov.u32 s17;
	s17 =	sadd.s32 $0x4, s17  }
.Ltmp3:
0x35: {  	v2 =	vld [tilespmem:s18+$0xFFFFFFF0];
	[tilespmem:s15+$0x1020 ss:$0x81] =	vst.msk $0xffff, v0;
	(pc) =	sbr.rel @p1 .LBB1_3-.Ltmp3, $4  }
0x36: {  	v0 =	vld [tilespmem:s18+$0x0];
	[tilespmem:s15+$0x0 ss:$0x81] =	vst.msk $0xffff, v1  }
0x37: {  	s15 =	sshra.s32 s19, $0x2;
	v1 =	vld [tilespmem:s18+$0xFFFFFFE0]  }
0x38: {  	s15 =	sadd.s32 s15, s16  }
0x39: {  	s18 =	sadd.s32 $0x40, s18;
	[tilespmem:s15+$0x1830 ss:$0x81] =	vst.msk $0xffff, v3  }
.Ltmp4:
0x3a: {  	_ = 	snop;
	(pc) =	sbr.rel .LBB1_4-.Ltmp4, $1  }
0x3b: {  	_ =	sdelay $0x3  }
.LBB1_6:
0x3c: {  	_ =	sfence.sel $0x180000  }
0x3d: {  	s2 =	simm.s32 $0x1;
	[bflag:$0x0] =	sbarrier.arrive $0xFFFF  }
0x3e: {  	s31 =	simm.s32 $0x2;
	[sflag:s2] =	ssyncpa.u1 $0x1  }
0x3f: {  	[sflag:s31] =	ssyncpa.u1 $0x1  }
0x40: {  	p0 =	sne.s32 s0, $0x0;
	_ =	strace $0x9000004A  }
0x41: {  	s0 =	sadd.s32 @!p0 $0x100000, s1;
	[bflag:$0x2] =	sbarrier.arrive $0xFFFF  }
0x42: {  	[sflag:s0] =	ssyncadd.tile.s32 @!p0 $0x1;
	_ =	shalt  }
.Lfunc_end1:
_tile_overlayer_lowered:
.L_overlay_start_2:
0x43: {  	(tag) =	ssettag $0x2  }
0x44: {  	s0 =	rddreg [dreg:$0x0];
	s2 =	stileid.u32  }
0x45: {  	s1 =	rddreg [dreg:$0x1];
	p0 =	sne.s32 s2, $0x0  }
0x46: {  	s3 =	rddreg [dreg:$0x2];
	[bflag:$0x3] =	sbarrier.arrive $0xFFFF;
	s2 =	simm.s32 @!p0 $0x1C01  }
0x47: {  	[timem:s3], [sflag:s2] =	dma.local @!p0 [hbm:s0], s1  }
0x48: {  	s0 =	simm.s32 @!p0 $0x1  }
0x49: {  	_ =	swait.ge @!p0 [sflag:s0], s1  }
0x4a: {  	s1 =	ssub.s32 @!p0 $0x0, s1;
	[sflag:s0] =	ssyncset.done @!p0 $0x0  }
0x4b: {  	[sflag:s0] =	ssyncadd.s32 @!p0 s1  }
0x4c: {  	[bflag:$0x3] =	sbarrier.arrive $0xFFFF  }
0x4d: {  	_ =	shalt  }

</sc_bundles>
